<compile_context>
chip_gen: v7x
topology: tpu7x:2x2x1
jax: 0.10.2.dev20260603
libtpu: 0.0.44.dev20260713+nightly
codegen_flags: <defaults>
</compile_context>

<pallas_src>
import functools

import numpy as np

import jax
import jax.numpy as jnp
from jax import lax
from jax.experimental import pallas as pl
from jax.experimental.pallas import tpu as pltpu
from jax.experimental.pallas import tpu_sc as plsc

D_MODEL = 1024
BATCH = 4
SEQ = 2048
N_ROWS = BATCH * SEQ
HALVES = 2
HALF_ROWS = N_ROWS // HALVES
NUM_WORKERS = 32
ROWS_PER_WORKER = HALF_ROWS // NUM_WORKERS
CHUNK = 16
NUM_CHUNKS = ROWS_PER_WORKER // CHUNK
TC_BLOCK = 256
SEQ_BLOCKS = SEQ // TC_BLOCK


def _pos_table(seq_len):
    pos = np.arange(0, seq_len, dtype=np.float32)[:, None]
    _2i = np.arange(0, D_MODEL, 2, dtype=np.float32)
    angle = (pos / np.power(10000.0, _2i / D_MODEL)).astype(np.float32)
    table = np.zeros((seq_len, D_MODEL), dtype=np.float32)
    table[:, 0::2] = np.sin(angle)
    table[:, 1::2] = np.cos(angle)
    return table


_POS = _pos_table(SEQ)


_MESH = plsc.VectorSubcoreMesh(core_axis_name="c", subcore_axis_name="s")


@functools.partial(
    pl.kernel,
    out_type=jax.ShapeDtypeStruct((HALF_ROWS, D_MODEL), jnp.float32),
    mesh=_MESH,
    scratch_types=[
        pltpu.VMEM((NUM_CHUNKS, CHUNK), jnp.int32),
        pltpu.VMEM((CHUNK, D_MODEL), jnp.float32),
        pltpu.VMEM((CHUNK, D_MODEL), jnp.float32),
        pltpu.SemaphoreType.DMA,
        pltpu.SemaphoreType.DMA,
        pltpu.SemaphoreType.DMA,
        pltpu.SemaphoreType.DMA,
    ],
)
def _gather_half(tok_hbm, idx_hbm, out_hbm,
                 idx_v, emb0, emb1, sg0, sg1, sw0, sw1):
    wid = lax.axis_index("s") * 2 + lax.axis_index("c")
    base = wid * ROWS_PER_WORKER

    pltpu.sync_copy(idx_hbm.at[wid], idx_v)
    pltpu.async_copy(tok_hbm.at[idx_v.at[0]], emb0, sg0)

    def out_slice(c):
        return out_hbm.at[pl.ds(base + c * CHUNK, CHUNK)]

    @pl.loop(0, NUM_CHUNKS, step=2)
    def _pipe(c):
        @pl.when(c > 0)
        def _():
            pltpu.make_async_copy(emb1, out_slice(c - 1), sw1).wait()
        pltpu.async_copy(tok_hbm.at[idx_v.at[c + 1]], emb1, sg1)
        pltpu.make_async_copy(tok_hbm.at[idx_v.at[c]], emb0, sg0).wait()
        pltpu.async_copy(emb0, out_slice(c), sw0)

        @pl.when(c + 2 < NUM_CHUNKS)
        def _():
            pltpu.make_async_copy(emb0, out_slice(c), sw0).wait()
            pltpu.async_copy(tok_hbm.at[idx_v.at[c + 2]], emb0, sg0)
        pltpu.make_async_copy(tok_hbm.at[idx_v.at[c + 1]], emb1, sg1).wait()
        pltpu.async_copy(emb1, out_slice(c + 1), sw1)

    pltpu.make_async_copy(emb0, out_slice(NUM_CHUNKS - 2), sw0).wait()
    pltpu.make_async_copy(emb1, out_slice(NUM_CHUNKS - 1), sw1).wait()


_BPH = HALF_ROWS // SEQ


def _add_first_body(emb_ref, pos_ref, out_ref):
    out_ref[...] = emb_ref[...] + pos_ref[...]


def _add_next_body(prev_ref, emb_ref, pos_ref, out_ref):
    del prev_ref
    out_ref[...] = emb_ref[...] + pos_ref[...]


def _add_pos_half(h, emb_h, pos, prev=None):
    emb_spec = pl.BlockSpec((TC_BLOCK, D_MODEL),
                            lambda i, j: (j * SEQ_BLOCKS + i, 0))
    pos_spec = pl.BlockSpec((TC_BLOCK, D_MODEL), lambda i, j: (i, 0))
    out_spec = pl.BlockSpec(
        (TC_BLOCK, D_MODEL),
        lambda i, j, h=h: ((h * _BPH + j) * SEQ_BLOCKS + i, 0))
    out_shape = jax.ShapeDtypeStruct((N_ROWS, D_MODEL), jnp.float32)
    if prev is None:
        return pl.pallas_call(
            _add_first_body,
            grid=(SEQ_BLOCKS, _BPH),
            in_specs=[emb_spec, pos_spec],
            out_specs=out_spec,
            out_shape=out_shape,
        )(emb_h, pos)
    prev_spec = pl.BlockSpec((8, 128), lambda i, j: (0, 0))
    return pl.pallas_call(
        _add_next_body,
        grid=(SEQ_BLOCKS, _BPH),
        in_specs=[prev_spec, emb_spec, pos_spec],
        out_specs=out_spec,
        out_shape=out_shape,
        input_output_aliases={0: 0},
    )(prev, emb_h, pos)


def kernel(x, tok_emb):
    idx = (x.astype(jnp.int32)
           .reshape(HALVES, NUM_WORKERS, NUM_CHUNKS, CHUNK))
    pos = jnp.asarray(_POS)
    emb_h0 = _gather_half(tok_emb, idx[0])
    emb_h1 = _gather_half(tok_emb, idx[1])
    out = _add_pos_half(0, emb_h0, pos)
    out = _add_pos_half(1, emb_h1, pos, prev=out)
    return out.reshape(BATCH, SEQ, D_MODEL)

# --- scband reference (transcript-rebuilt; emitter-appended) ---
"""Pipeline reference for scband-positional-encoding-63282048139411 (READ-ONLY COPY).

The authoritative reference and input builder live on the scoring server;
editing this copy changes nothing except your own understanding.
"""

import jax, jax.numpy as jnp
import numpy as np

D_MODEL = 1024
MAX_SEQ_LEN = 8192
VOCAB_SIZE = 100000
PADDING_IDX = 0


def _encoding_table():
    pos = jnp.arange(0, MAX_SEQ_LEN, dtype=jnp.float32)[:, None]
    _2i = jnp.arange(0, D_MODEL, 2, dtype=jnp.float32)
    angle = pos / jnp.power(10000.0, _2i / D_MODEL)
    table = jnp.zeros((MAX_SEQ_LEN, D_MODEL), dtype=jnp.float32)
    table = table.at[:, 0::2].set(jnp.sin(angle))
    table = table.at[:, 1::2].set(jnp.cos(angle))
    return table


def setup_inputs(seed: int = 0) -> dict:
    key = jax.random.key(seed)
    k1, k2 = jax.random.split(key)
    x = jax.random.randint(k1, (4, 2048), 0, VOCAB_SIZE, dtype=jnp.int64) if jax.config.jax_enable_x64 else jax.random.randint(k1, (4, 2048), 0, VOCAB_SIZE, dtype=jnp.int32)
    tok_emb = jax.random.normal(k2, (VOCAB_SIZE, D_MODEL), dtype=jnp.float32)
    tok_emb = tok_emb.at[PADDING_IDX].set(0.0)  # padding_idx row zeroed like nn.Embedding
    return {"x": x, "tok_emb": tok_emb}


def reference(x, tok_emb):
    batch_size, seq_len = x.shape
    emb = jnp.take(tok_emb, x, axis=0)          # embedding lookup (gather)
    pos = _encoding_table()[:seq_len, :]         # sinusoidal positional encoding buffer
    return emb + pos[None, :, :]

if __name__ == "__main__":
    import jax
    _d = setup_inputs()
    print(jax.jit(kernel)(*tuple(_d.values())))

</pallas_src>

<mosaic_0001>
#map = affine_map<(d0, d1) -> (0, 0)>
#map1 = affine_map<(d0, d1) -> (0, 0, 0)>
module attributes {stable_mosaic.version = 14 : i64} {
  func.func @_gather_half(%arg0: i32, %arg1: i32, %arg2: memref<100000x1024xf32, #tpu.memory_space<hbm>>, %arg3: memref<32x8x16xi32, #tpu.memory_space<hbm>>, %arg4: memref<4096x1024xf32, #tpu.memory_space<hbm>>, %arg5: memref<8x16xi32, #tpu.memory_space<vmem>>, %arg6: memref<16x1024xf32, #tpu.memory_space<vmem>>, %arg7: memref<16x1024xf32, #tpu.memory_space<vmem>>, %arg8: memref<!tpu.dma_semaphore, #tpu.memory_space<semaphore_mem>>, %arg9: memref<!tpu.dma_semaphore, #tpu.memory_space<semaphore_mem>>, %arg10: memref<!tpu.dma_semaphore, #tpu.memory_space<semaphore_mem>>, %arg11: memref<!tpu.dma_semaphore, #tpu.memory_space<semaphore_mem>>) attributes {dimension_semantics = [#tpu.dimension_semantics<core_parallel>, #tpu.dimension_semantics<subcore_parallel>], iteration_bounds = array<i64: 2, 16>, scalar_prefetch = 0 : i64, scratch_operands = 7 : i64, tpu.core_type = #tpu.core_type<sc_vector_subcore>, window_params = [{transform_indices = #map}, {transform_indices = #map1}, {transform_indices = #map}]} {
    %mul3A = arith.constant 2 : i32
    %mul3A_0 = arith.muli %arg1, %mul3A : i32
    %add3A = arith.addi %mul3A_0, %arg0 : i32
    %mul3A_1 = arith.constant 128 : i32
    %mul3A_2 = arith.muli %add3A, %mul3A_1 : i32
    "tpu.region"() ({
      %run_scoped3A = tpu.sem_alloc : memref<!tpu.dma_semaphore, #tpu.memory_space<semaphore_mem>>
      %dma_start3A_24 = arith.constant 0 : i32
      %dma_start3A_25 = arith.constant 0 : i32
      %dma_start3A_26 = tpu.memref_slice %arg3[%add3A, %dma_start3A_24, %dma_start3A_25] : memref<32x8x16xi32, #tpu.memory_space<hbm>> -> memref<1x8x16xi32, #tpu.memory_space<hbm>>
      %dma_start3A_27 = tpu.memref_squeeze %dma_start3A_26 : memref<1x8x16xi32, #tpu.memory_space<hbm>> -> memref<8x16xi32, #tpu.memory_space<hbm>>
      %dma_start3A_28 = arith.constant 0 : i32
      %dma_start3A_29 = arith.constant 0 : i32
      %dma_start3A_30 = tpu.memref_slice %arg3[%add3A, %dma_start3A_28, %dma_start3A_29] : memref<32x8x16xi32, #tpu.memory_space<hbm>> -> memref<1x8x16xi32, #tpu.memory_space<hbm>>
      %dma_start3A_31 = tpu.memref_squeeze %dma_start3A_30 : memref<1x8x16xi32, #tpu.memory_space<hbm>> -> memref<8x16xi32, #tpu.memory_space<hbm>>
      tpu.enqueue_dma source(%dma_start3A_31 : memref<8x16xi32, #tpu.memory_space<hbm>>) target(%arg5 : memref<8x16xi32, #tpu.memory_space<vmem>>) target_semaphore(%run_scoped3A : memref<!tpu.dma_semaphore, #tpu.memory_space<semaphore_mem>>)
      %dma_wait3A_32 = arith.constant 0 : i32
      %dma_wait3A_33 = arith.constant 0 : i32
      %dma_wait3A_34 = tpu.memref_slice %arg3[%add3A, %dma_wait3A_32, %dma_wait3A_33] : memref<32x8x16xi32, #tpu.memory_space<hbm>> -> memref<1x8x16xi32, #tpu.memory_space<hbm>>
      %dma_wait3A_35 = tpu.memref_squeeze %dma_wait3A_34 : memref<1x8x16xi32, #tpu.memory_space<hbm>> -> memref<8x16xi32, #tpu.memory_space<hbm>>
      %dma_wait3A_36 = arith.constant 0 : i32
      %dma_wait3A_37 = arith.constant 0 : i32
      %dma_wait3A_38 = tpu.memref_slice %arg3[%add3A, %dma_wait3A_36, %dma_wait3A_37] : memref<32x8x16xi32, #tpu.memory_space<hbm>> -> memref<1x8x16xi32, #tpu.memory_space<hbm>>
      %dma_wait3A_39 = tpu.memref_squeeze %dma_wait3A_38 : memref<1x8x16xi32, #tpu.memory_space<hbm>> -> memref<8x16xi32, #tpu.memory_space<hbm>>
      tpu.wait_dma2 semaphore(%run_scoped3A : memref<!tpu.dma_semaphore, #tpu.memory_space<semaphore_mem>>) src(%dma_wait3A_39 : memref<8x16xi32, #tpu.memory_space<hbm>>) dst(%arg5 : memref<8x16xi32, #tpu.memory_space<vmem>>)
      tpu.yield
    }) : () -> ()
    %dma_start3A = arith.constant 0 : i32
    %dma_start3A_3 = arith.constant 0 : i32
    %dma_start3A_4 = tpu.memref_slice %arg5[%dma_start3A, %dma_start3A_3] : memref<8x16xi32, #tpu.memory_space<vmem>> -> memref<1x16xi32, #tpu.memory_space<vmem>>
    %dma_start3A_5 = tpu.memref_squeeze %dma_start3A_4 : memref<1x16xi32, #tpu.memory_space<vmem>> -> memref<16xi32, #tpu.memory_space<vmem>>
    %dma_start3A_6 = arith.constant 0 : i32
    %dma_start3A_7 = arith.constant 0 : i32
    %dma_start3A_8 = tpu.memref_slice %arg2[%dma_start3A_6, %dma_start3A_7] : memref<100000x1024xf32, #tpu.memory_space<hbm>> -> memref<100000x1024xf32, #tpu.memory_space<hbm>>
    tpu.enqueue_indirect_dma source(%dma_start3A_8 : memref<100000x1024xf32, #tpu.memory_space<hbm>>) target(%arg6 : memref<16x1024xf32, #tpu.memory_space<vmem>>) offsets(%dma_start3A_5 : memref<16xi32, #tpu.memory_space<vmem>>) semaphore(%arg8 : memref<!tpu.dma_semaphore, #tpu.memory_space<semaphore_mem>>)
    %scan3A = arith.constant 0 : i32
    %scan3A_9 = arith.constant 4 : i32
    %scan3A_10 = arith.addi %scan3A, %scan3A_9 : i32
    %scan3A_11 = arith.constant 1 : i32
    scf.for %scan3A_24 = %scan3A to %scan3A_10 step %scan3A_11  : i32 {
      %mul3A_25 = arith.constant 2 : i32
      %mul3A_26 = arith.muli %scan3A_24, %mul3A_25 : i32
      %add3A_27 = arith.constant 0 : i32
      %add3A_28 = arith.addi %add3A_27, %mul3A_26 : i32
      %gt3A = arith.constant 0 : i32
      %gt3A_29 = arith.cmpi sgt, %add3A_28, %gt3A : i32
      %convert_element_type3A = arith.extui %gt3A_29 : i1 to i32
      %cond3A = arith.constant 0 : i32
      %cond3A_30 = arith.cmpi ne, %convert_element_type3A, %cond3A : i32
      scf.if %cond3A_30 {
        %sub3A = arith.constant 1 : i32
        %sub3A_75 = arith.subi %add3A_28, %sub3A : i32
        %mul3A_76 = arith.constant 16 : i32
        %mul3A_77 = arith.muli %sub3A_75, %mul3A_76 : i32
        %add3A_78 = arith.addi %mul3A_2, %mul3A_77 : i32
        %dma_wait3A_79 = arith.constant 0 : i32
        %dma_wait3A_80 = tpu.memref_slice %arg4[%add3A_78, %dma_wait3A_79] : memref<4096x1024xf32, #tpu.memory_space<hbm>> -> memref<16x1024xf32, #tpu.memory_space<hbm>>
        %dma_wait3A_81 = arith.constant 0 : i32
        %dma_wait3A_82 = tpu.memref_slice %arg4[%add3A_78, %dma_wait3A_81] : memref<4096x1024xf32, #tpu.memory_space<hbm>> -> memref<16x1024xf32, #tpu.memory_space<hbm>>
        tpu.wait_dma2 semaphore(%arg11 : memref<!tpu.dma_semaphore, #tpu.memory_space<semaphore_mem>>) src(%arg7 : memref<16x1024xf32, #tpu.memory_space<vmem>>) dst(%dma_wait3A_82 : memref<16x1024xf32, #tpu.memory_space<hbm>>)
      } else {
      }
      %add3A_31 = arith.constant 1 : i32
      %add3A_32 = arith.addi %add3A_28, %add3A_31 : i32
      %dma_start3A_33 = arith.constant 0 : i32
      %dma_start3A_34 = tpu.memref_slice %arg5[%add3A_32, %dma_start3A_33] : memref<8x16xi32, #tpu.memory_space<vmem>> -> memref<1x16xi32, #tpu.memory_space<vmem>>
      %dma_start3A_35 = tpu.memref_squeeze %dma_start3A_34 : memref<1x16xi32, #tpu.memory_space<vmem>> -> memref<16xi32, #tpu.memory_space<vmem>>
      %dma_start3A_36 = arith.constant 0 : i32
      %dma_start3A_37 = arith.constant 0 : i32
      %dma_start3A_38 = tpu.memref_slice %arg2[%dma_start3A_36, %dma_start3A_37] : memref<100000x1024xf32, #tpu.memory_space<hbm>> -> memref<100000x1024xf32, #tpu.memory_space<hbm>>
      tpu.enqueue_indirect_dma source(%dma_start3A_38 : memref<100000x1024xf32, #tpu.memory_space<hbm>>) target(%arg7 : memref<16x1024xf32, #tpu.memory_space<vmem>>) offsets(%dma_start3A_35 : memref<16xi32, #tpu.memory_space<vmem>>) semaphore(%arg9 : memref<!tpu.dma_semaphore, #tpu.memory_space<semaphore_mem>>)
      %dma_wait3A_39 = arith.constant 0 : i32
      %dma_wait3A_40 = tpu.memref_slice %arg5[%add3A_28, %dma_wait3A_39] : memref<8x16xi32, #tpu.memory_space<vmem>> -> memref<1x16xi32, #tpu.memory_space<vmem>>
      %dma_wait3A_41 = tpu.memref_squeeze %dma_wait3A_40 : memref<1x16xi32, #tpu.memory_space<vmem>> -> memref<16xi32, #tpu.memory_space<vmem>>
      %dma_wait3A_42 = arith.constant 0 : i32
      %dma_wait3A_43 = arith.constant 0 : i32
      %dma_wait3A_44 = tpu.memref_slice %arg2[%dma_wait3A_42, %dma_wait3A_43] : memref<100000x1024xf32, #tpu.memory_space<hbm>> -> memref<100000x1024xf32, #tpu.memory_space<hbm>>
      tpu.wait_indirect_dma semaphore(%arg8 : memref<!tpu.dma_semaphore, #tpu.memory_space<semaphore_mem>>) src(%dma_wait3A_44 : memref<100000x1024xf32, #tpu.memory_space<hbm>>) dst(%arg6 : memref<16x1024xf32, #tpu.memory_space<vmem>>)
      %mul3A_45 = arith.constant 16 : i32
      %mul3A_46 = arith.muli %add3A_28, %mul3A_45 : i32
      %add3A_47 = arith.addi %mul3A_2, %mul3A_46 : i32
      %dma_start3A_48 = arith.constant 0 : i32
      %dma_start3A_49 = tpu.memref_slice %arg4[%add3A_47, %dma_start3A_48] : memref<4096x1024xf32, #tpu.memory_space<hbm>> -> memref<16x1024xf32, #tpu.memory_space<hbm>>
      %dma_start3A_50 = arith.constant 0 : i32
      %dma_start3A_51 = tpu.memref_slice %arg4[%add3A_47, %dma_start3A_50] : memref<4096x1024xf32, #tpu.memory_space<hbm>> -> memref<16x1024xf32, #tpu.memory_space<hbm>>
      tpu.enqueue_dma source(%arg6 : memref<16x1024xf32, #tpu.memory_space<vmem>>) target(%dma_start3A_51 : memref<16x1024xf32, #tpu.memory_space<hbm>>) target_semaphore(%arg10 : memref<!tpu.dma_semaphore, #tpu.memory_space<semaphore_mem>>)
      %add3A_52 = arith.constant 2 : i32
      %add3A_53 = arith.addi %add3A_28, %add3A_52 : i32
      %lt3A = arith.constant 8 : i32
      %lt3A_54 = arith.cmpi slt, %add3A_53, %lt3A : i32
      %convert_element_type3A_55 = arith.extui %lt3A_54 : i1 to i32
      %cond3A_56 = arith.constant 0 : i32
      %cond3A_57 = arith.cmpi ne, %convert_element_type3A_55, %cond3A_56 : i32
      scf.if %cond3A_57 {
        %mul3A_75 = arith.constant 16 : i32
        %mul3A_76 = arith.muli %add3A_28, %mul3A_75 : i32
        %add3A_77 = arith.addi %mul3A_2, %mul3A_76 : i32
        %dma_wait3A_78 = arith.constant 0 : i32
        %dma_wait3A_79 = tpu.memref_slice %arg4[%add3A_77, %dma_wait3A_78] : memref<4096x1024xf32, #tpu.memory_space<hbm>> -> memref<16x1024xf32, #tpu.memory_space<hbm>>
        %dma_wait3A_80 = arith.constant 0 : i32
        %dma_wait3A_81 = tpu.memref_slice %arg4[%add3A_77, %dma_wait3A_80] : memref<4096x1024xf32, #tpu.memory_space<hbm>> -> memref<16x1024xf32, #tpu.memory_space<hbm>>
        tpu.wait_dma2 semaphore(%arg10 : memref<!tpu.dma_semaphore, #tpu.memory_space<semaphore_mem>>) src(%arg6 : memref<16x1024xf32, #tpu.memory_space<vmem>>) dst(%dma_wait3A_81 : memref<16x1024xf32, #tpu.memory_space<hbm>>)
        %add3A_82 = arith.constant 2 : i32
        %add3A_83 = arith.addi %add3A_28, %add3A_82 : i32
        %dma_start3A_84 = arith.constant 0 : i32
        %dma_start3A_85 = tpu.memref_slice %arg5[%add3A_83, %dma_start3A_84] : memref<8x16xi32, #tpu.memory_space<vmem>> -> memref<1x16xi32, #tpu.memory_space<vmem>>
        %dma_start3A_86 = tpu.memref_squeeze %dma_start3A_85 : memref<1x16xi32, #tpu.memory_space<vmem>> -> memref<16xi32, #tpu.memory_space<vmem>>
        %dma_start3A_87 = arith.constant 0 : i32
        %dma_start3A_88 = arith.constant 0 : i32
        %dma_start3A_89 = tpu.memref_slice %arg2[%dma_start3A_87, %dma_start3A_88] : memref<100000x1024xf32, #tpu.memory_space<hbm>> -> memref<100000x1024xf32, #tpu.memory_space<hbm>>
        tpu.enqueue_indirect_dma source(%dma_start3A_89 : memref<100000x1024xf32, #tpu.memory_space<hbm>>) target(%arg6 : memref<16x1024xf32, #tpu.memory_space<vmem>>) offsets(%dma_start3A_86 : memref<16xi32, #tpu.memory_space<vmem>>) semaphore(%arg8 : memref<!tpu.dma_semaphore, #tpu.memory_space<semaphore_mem>>)
      } else {
      }
      %add3A_58 = arith.constant 1 : i32
      %add3A_59 = arith.addi %add3A_28, %add3A_58 : i32
      %dma_wait3A_60 = arith.constant 0 : i32
      %dma_wait3A_61 = tpu.memref_slice %arg5[%add3A_59, %dma_wait3A_60] : memref<8x16xi32, #tpu.memory_space<vmem>> -> memref<1x16xi32, #tpu.memory_space<vmem>>
      %dma_wait3A_62 = tpu.memref_squeeze %dma_wait3A_61 : memref<1x16xi32, #tpu.memory_space<vmem>> -> memref<16xi32, #tpu.memory_space<vmem>>
      %dma_wait3A_63 = arith.constant 0 : i32
      %dma_wait3A_64 = arith.constant 0 : i32
      %dma_wait3A_65 = tpu.memref_slice %arg2[%dma_wait3A_63, %dma_wait3A_64] : memref<100000x1024xf32, #tpu.memory_space<hbm>> -> memref<100000x1024xf32, #tpu.memory_space<hbm>>
      tpu.wait_indirect_dma semaphore(%arg9 : memref<!tpu.dma_semaphore, #tpu.memory_space<semaphore_mem>>) src(%dma_wait3A_65 : memref<100000x1024xf32, #tpu.memory_space<hbm>>) dst(%arg7 : memref<16x1024xf32, #tpu.memory_space<vmem>>)
      %add3A_66 = arith.constant 1 : i32
      %add3A_67 = arith.addi %add3A_28, %add3A_66 : i32
      %mul3A_68 = arith.constant 16 : i32
      %mul3A_69 = arith.muli %add3A_67, %mul3A_68 : i32
      %add3A_70 = arith.addi %mul3A_2, %mul3A_69 : i32
      %dma_start3A_71 = arith.constant 0 : i32
      %dma_start3A_72 = tpu.memref_slice %arg4[%add3A_70, %dma_start3A_71] : memref<4096x1024xf32, #tpu.memory_space<hbm>> -> memref<16x1024xf32, #tpu.memory_space<hbm>>
      %dma_start3A_73 = arith.constant 0 : i32
      %dma_start3A_74 = tpu.memref_slice %arg4[%add3A_70, %dma_start3A_73] : memref<4096x1024xf32, #tpu.memory_space<hbm>> -> memref<16x1024xf32, #tpu.memory_space<hbm>>
      tpu.enqueue_dma source(%arg7 : memref<16x1024xf32, #tpu.memory_space<vmem>>) target(%dma_start3A_74 : memref<16x1024xf32, #tpu.memory_space<hbm>>) target_semaphore(%arg11 : memref<!tpu.dma_semaphore, #tpu.memory_space<semaphore_mem>>)
    }
    %scan3A_12 = arith.constant 4 : i32
    %add3A_13 = arith.constant 96 : i32
    %add3A_14 = arith.addi %mul3A_2, %add3A_13 : i32
    %dma_wait3A = arith.constant 0 : i32
    %dma_wait3A_15 = tpu.memref_slice %arg4[%add3A_14, %dma_wait3A] : memref<4096x1024xf32, #tpu.memory_space<hbm>> -> memref<16x1024xf32, #tpu.memory_space<hbm>>
    %dma_wait3A_16 = arith.constant 0 : i32
    %dma_wait3A_17 = tpu.memref_slice %arg4[%add3A_14, %dma_wait3A_16] : memref<4096x1024xf32, #tpu.memory_space<hbm>> -> memref<16x1024xf32, #tpu.memory_space<hbm>>
    tpu.wait_dma2 semaphore(%arg10 : memref<!tpu.dma_semaphore, #tpu.memory_space<semaphore_mem>>) src(%arg6 : memref<16x1024xf32, #tpu.memory_space<vmem>>) dst(%dma_wait3A_17 : memref<16x1024xf32, #tpu.memory_space<hbm>>)
    %add3A_18 = arith.constant 112 : i32
    %add3A_19 = arith.addi %mul3A_2, %add3A_18 : i32
    %dma_wait3A_20 = arith.constant 0 : i32
    %dma_wait3A_21 = tpu.memref_slice %arg4[%add3A_19, %dma_wait3A_20] : memref<4096x1024xf32, #tpu.memory_space<hbm>> -> memref<16x1024xf32, #tpu.memory_space<hbm>>
    %dma_wait3A_22 = arith.constant 0 : i32
    %dma_wait3A_23 = tpu.memref_slice %arg4[%add3A_19, %dma_wait3A_22] : memref<4096x1024xf32, #tpu.memory_space<hbm>> -> memref<16x1024xf32, #tpu.memory_space<hbm>>
    tpu.wait_dma2 semaphore(%arg11 : memref<!tpu.dma_semaphore, #tpu.memory_space<semaphore_mem>>) src(%arg7 : memref<16x1024xf32, #tpu.memory_space<vmem>>) dst(%dma_wait3A_23 : memref<16x1024xf32, #tpu.memory_space<hbm>>)
    return
  }
}

#map = affine_map<(d0, d1) -> (0, 0)>
#map1 = affine_map<(d0, d1) -> (0, 0, 0)>
module attributes {stable_mosaic.version = 14 : i64} {
  func.func @_gather_half(%arg0: i32, %arg1: i32, %arg2: memref<100000x1024xf32, #tpu.memory_space<hbm>>, %arg3: memref<32x8x16xi32, #tpu.memory_space<hbm>>, %arg4: memref<4096x1024xf32, #tpu.memory_space<hbm>>, %arg5: memref<8x16xi32, #tpu.memory_space<vmem>>, %arg6: memref<16x1024xf32, #tpu.memory_space<vmem>>, %arg7: memref<16x1024xf32, #tpu.memory_space<vmem>>, %arg8: memref<!tpu.dma_semaphore, #tpu.memory_space<semaphore_mem>>, %arg9: memref<!tpu.dma_semaphore, #tpu.memory_space<semaphore_mem>>, %arg10: memref<!tpu.dma_semaphore, #tpu.memory_space<semaphore_mem>>, %arg11: memref<!tpu.dma_semaphore, #tpu.memory_space<semaphore_mem>>) attributes {dimension_semantics = [#tpu.dimension_semantics<core_parallel>, #tpu.dimension_semantics<subcore_parallel>], iteration_bounds = array<i64: 2, 16>, scalar_prefetch = 0 : i64, scratch_operands = 7 : i64, tpu.core_type = #tpu.core_type<sc_vector_subcore>, window_params = [{transform_indices = #map}, {transform_indices = #map1}, {transform_indices = #map}]} {
    %mul3A = arith.constant 2 : i32
    %mul3A_0 = arith.muli %arg1, %mul3A : i32
    %add3A = arith.addi %mul3A_0, %arg0 : i32
    %mul3A_1 = arith.constant 128 : i32
    %mul3A_2 = arith.muli %add3A, %mul3A_1 : i32
    "tpu.region"() ({
      %run_scoped3A = tpu.sem_alloc : memref<!tpu.dma_semaphore, #tpu.memory_space<semaphore_mem>>
      %dma_start3A_24 = arith.constant 0 : i32
      %dma_start3A_25 = arith.constant 0 : i32
      %dma_start3A_26 = tpu.memref_slice %arg3[%add3A, %dma_start3A_24, %dma_start3A_25] : memref<32x8x16xi32, #tpu.memory_space<hbm>> -> memref<1x8x16xi32, #tpu.memory_space<hbm>>
      %dma_start3A_27 = tpu.memref_squeeze %dma_start3A_26 : memref<1x8x16xi32, #tpu.memory_space<hbm>> -> memref<8x16xi32, #tpu.memory_space<hbm>>
      %dma_start3A_28 = arith.constant 0 : i32
      %dma_start3A_29 = arith.constant 0 : i32
      %dma_start3A_30 = tpu.memref_slice %arg3[%add3A, %dma_start3A_28, %dma_start3A_29] : memref<32x8x16xi32, #tpu.memory_space<hbm>> -> memref<1x8x16xi32, #tpu.memory_space<hbm>>
      %dma_start3A_31 = tpu.memref_squeeze %dma_start3A_30 : memref<1x8x16xi32, #tpu.memory_space<hbm>> -> memref<8x16xi32, #tpu.memory_space<hbm>>
      tpu.enqueue_dma source(%dma_start3A_31 : memref<8x16xi32, #tpu.memory_space<hbm>>) target(%arg5 : memref<8x16xi32, #tpu.memory_space<vmem>>) target_semaphore(%run_scoped3A : memref<!tpu.dma_semaphore, #tpu.memory_space<semaphore_mem>>)
      %dma_wait3A_32 = arith.constant 0 : i32
      %dma_wait3A_33 = arith.constant 0 : i32
      %dma_wait3A_34 = tpu.memref_slice %arg3[%add3A, %dma_wait3A_32, %dma_wait3A_33] : memref<32x8x16xi32, #tpu.memory_space<hbm>> -> memref<1x8x16xi32, #tpu.memory_space<hbm>>
      %dma_wait3A_35 = tpu.memref_squeeze %dma_wait3A_34 : memref<1x8x16xi32, #tpu.memory_space<hbm>> -> memref<8x16xi32, #tpu.memory_space<hbm>>
      %dma_wait3A_36 = arith.constant 0 : i32
      %dma_wait3A_37 = arith.constant 0 : i32
      %dma_wait3A_38 = tpu.memref_slice %arg3[%add3A, %dma_wait3A_36, %dma_wait3A_37] : memref<32x8x16xi32, #tpu.memory_space<hbm>> -> memref<1x8x16xi32, #tpu.memory_space<hbm>>
      %dma_wait3A_39 = tpu.memref_squeeze %dma_wait3A_38 : memref<1x8x16xi32, #tpu.memory_space<hbm>> -> memref<8x16xi32, #tpu.memory_space<hbm>>
      tpu.wait_dma2 semaphore(%run_scoped3A : memref<!tpu.dma_semaphore, #tpu.memory_space<semaphore_mem>>) src(%dma_wait3A_39 : memref<8x16xi32, #tpu.memory_space<hbm>>) dst(%arg5 : memref<8x16xi32, #tpu.memory_space<vmem>>)
      tpu.yield
    }) : () -> ()
    %dma_start3A = arith.constant 0 : i32
    %dma_start3A_3 = arith.constant 0 : i32
    %dma_start3A_4 = tpu.memref_slice %arg5[%dma_start3A, %dma_start3A_3] : memref<8x16xi32, #tpu.memory_space<vmem>> -> memref<1x16xi32, #tpu.memory_space<vmem>>
    %dma_start3A_5 = tpu.memref_squeeze %dma_start3A_4 : memref<1x16xi32, #tpu.memory_space<vmem>> -> memref<16xi32, #tpu.memory_space<vmem>>
    %dma_start3A_6 = arith.constant 0 : i32
    %dma_start3A_7 = arith.constant 0 : i32
    %dma_start3A_8 = tpu.memref_slice %arg2[%dma_start3A_6, %dma_start3A_7] : memref<100000x1024xf32, #tpu.memory_space<hbm>> -> memref<100000x1024xf32, #tpu.memory_space<hbm>>
    tpu.enqueue_indirect_dma source(%dma_start3A_8 : memref<100000x1024xf32, #tpu.memory_space<hbm>>) target(%arg6 : memref<16x1024xf32, #tpu.memory_space<vmem>>) offsets(%dma_start3A_5 : memref<16xi32, #tpu.memory_space<vmem>>) semaphore(%arg8 : memref<!tpu.dma_semaphore, #tpu.memory_space<semaphore_mem>>)
    %scan3A = arith.constant 0 : i32
    %scan3A_9 = arith.constant 4 : i32
    %scan3A_10 = arith.addi %scan3A, %scan3A_9 : i32
    %scan3A_11 = arith.constant 1 : i32
    scf.for %scan3A_24 = %scan3A to %scan3A_10 step %scan3A_11  : i32 {
      %mul3A_25 = arith.constant 2 : i32
      %mul3A_26 = arith.muli %scan3A_24, %mul3A_25 : i32
      %add3A_27 = arith.constant 0 : i32
      %add3A_28 = arith.addi %add3A_27, %mul3A_26 : i32
      %gt3A = arith.constant 0 : i32
      %gt3A_29 = arith.cmpi sgt, %add3A_28, %gt3A : i32
      %convert_element_type3A = arith.extui %gt3A_29 : i1 to i32
      %cond3A = arith.constant 0 : i32
      %cond3A_30 = arith.cmpi ne, %convert_element_type3A, %cond3A : i32
      scf.if %cond3A_30 {
        %sub3A = arith.constant 1 : i32
        %sub3A_75 = arith.subi %add3A_28, %sub3A : i32
        %mul3A_76 = arith.constant 16 : i32
        %mul3A_77 = arith.muli %sub3A_75, %mul3A_76 : i32
        %add3A_78 = arith.addi %mul3A_2, %mul3A_77 : i32
        %dma_wait3A_79 = arith.constant 0 : i32
        %dma_wait3A_80 = tpu.memref_slice %arg4[%add3A_78, %dma_wait3A_79] : memref<4096x1024xf32, #tpu.memory_space<hbm>> -> memref<16x1024xf32, #tpu.memory_space<hbm>>
        %dma_wait3A_81 = arith.constant 0 : i32
        %dma_wait3A_82 = tpu.memref_slice %arg4[%add3A_78, %dma_wait3A_81] : memref<4096x1024xf32, #tpu.memory_space<hbm>> -> memref<16x1024xf32, #tpu.memory_space<hbm>>
        tpu.wait_dma2 semaphore(%arg11 : memref<!tpu.dma_semaphore, #tpu.memory_space<semaphore_mem>>) src(%arg7 : memref<16x1024xf32, #tpu.memory_space<vmem>>) dst(%dma_wait3A_82 : memref<16x1024xf32, #tpu.memory_space<hbm>>)
      } else {
      }
      %add3A_31 = arith.constant 1 : i32
      %add3A_32 = arith.addi %add3A_28, %add3A_31 : i32
      %dma_start3A_33 = arith.constant 0 : i32
      %dma_start3A_34 = tpu.memref_slice %arg5[%add3A_32, %dma_start3A_33] : memref<8x16xi32, #tpu.memory_space<vmem>> -> memref<1x16xi32, #tpu.memory_space<vmem>>
      %dma_start3A_35 = tpu.memref_squeeze %dma_start3A_34 : memref<1x16xi32, #tpu.memory_space<vmem>> -> memref<16xi32, #tpu.memory_space<vmem>>
      %dma_start3A_36 = arith.constant 0 : i32
      %dma_start3A_37 = arith.constant 0 : i32
      %dma_start3A_38 = tpu.memref_slice %arg2[%dma_start3A_36, %dma_start3A_37] : memref<100000x1024xf32, #tpu.memory_space<hbm>> -> memref<100000x1024xf32, #tpu.memory_space<hbm>>
      tpu.enqueue_indirect_dma source(%dma_start3A_38 : memref<100000x1024xf32, #tpu.memory_space<hbm>>) target(%arg7 : memref<16x1024xf32, #tpu.memory_space<vmem>>) offsets(%dma_start3A_35 : memref<16xi32, #tpu.memory_space<vmem>>) semaphore(%arg9 : memref<!tpu.dma_semaphore, #tpu.memory_space<semaphore_mem>>)
      %dma_wait3A_39 = arith.constant 0 : i32
      %dma_wait3A_40 = tpu.memref_slice %arg5[%add3A_28, %dma_wait3A_39] : memref<8x16xi32, #tpu.memory_space<vmem>> -> memref<1x16xi32, #tpu.memory_space<vmem>>
      %dma_wait3A_41 = tpu.memref_squeeze %dma_wait3A_40 : memref<1x16xi32, #tpu.memory_space<vmem>> -> memref<16xi32, #tpu.memory_space<vmem>>
      %dma_wait3A_42 = arith.constant 0 : i32
      %dma_wait3A_43 = arith.constant 0 : i32
      %dma_wait3A_44 = tpu.memref_slice %arg2[%dma_wait3A_42, %dma_wait3A_43] : memref<100000x1024xf32, #tpu.memory_space<hbm>> -> memref<100000x1024xf32, #tpu.memory_space<hbm>>
      tpu.wait_indirect_dma semaphore(%arg8 : memref<!tpu.dma_semaphore, #tpu.memory_space<semaphore_mem>>) src(%dma_wait3A_44 : memref<100000x1024xf32, #tpu.memory_space<hbm>>) dst(%arg6 : memref<16x1024xf32, #tpu.memory_space<vmem>>)
      %mul3A_45 = arith.constant 16 : i32
      %mul3A_46 = arith.muli %add3A_28, %mul3A_45 : i32
      %add3A_47 = arith.addi %mul3A_2, %mul3A_46 : i32
      %dma_start3A_48 = arith.constant 0 : i32
      %dma_start3A_49 = tpu.memref_slice %arg4[%add3A_47, %dma_start3A_48] : memref<4096x1024xf32, #tpu.memory_space<hbm>> -> memref<16x1024xf32, #tpu.memory_space<hbm>>
      %dma_start3A_50 = arith.constant 0 : i32
      %dma_start3A_51 = tpu.memref_slice %arg4[%add3A_47, %dma_start3A_50] : memref<4096x1024xf32, #tpu.memory_space<hbm>> -> memref<16x1024xf32, #tpu.memory_space<hbm>>
      tpu.enqueue_dma source(%arg6 : memref<16x1024xf32, #tpu.memory_space<vmem>>) target(%dma_start3A_51 : memref<16x1024xf32, #tpu.memory_space<hbm>>) target_semaphore(%arg10 : memref<!tpu.dma_semaphore, #tpu.memory_space<semaphore_mem>>)
      %add3A_52 = arith.constant 2 : i32
      %add3A_53 = arith.addi %add3A_28, %add3A_52 : i32
      %lt3A = arith.constant 8 : i32
      %lt3A_54 = arith.cmpi slt, %add3A_53, %lt3A : i32
      %convert_element_type3A_55 = arith.extui %lt3A_54 : i1 to i32
      %cond3A_56 = arith.constant 0 : i32
      %cond3A_57 = arith.cmpi ne, %convert_element_type3A_55, %cond3A_56 : i32
      scf.if %cond3A_57 {
        %mul3A_75 = arith.constant 16 : i32
        %mul3A_76 = arith.muli %add3A_28, %mul3A_75 : i32
        %add3A_77 = arith.addi %mul3A_2, %mul3A_76 : i32
        %dma_wait3A_78 = arith.constant 0 : i32
        %dma_wait3A_79 = tpu.memref_slice %arg4[%add3A_77, %dma_wait3A_78] : memref<4096x1024xf32, #tpu.memory_space<hbm>> -> memref<16x1024xf32, #tpu.memory_space<hbm>>
        %dma_wait3A_80 = arith.constant 0 : i32
        %dma_wait3A_81 = tpu.memref_slice %arg4[%add3A_77, %dma_wait3A_80] : memref<4096x1024xf32, #tpu.memory_space<hbm>> -> memref<16x1024xf32, #tpu.memory_space<hbm>>
        tpu.wait_dma2 semaphore(%arg10 : memref<!tpu.dma_semaphore, #tpu.memory_space<semaphore_mem>>) src(%arg6 : memref<16x1024xf32, #tpu.memory_space<vmem>>) dst(%dma_wait3A_81 : memref<16x1024xf32, #tpu.memory_space<hbm>>)
        %add3A_82 = arith.constant 2 : i32
        %add3A_83 = arith.addi %add3A_28, %add3A_82 : i32
        %dma_start3A_84 = arith.constant 0 : i32
        %dma_start3A_85 = tpu.memref_slice %arg5[%add3A_83, %dma_start3A_84] : memref<8x16xi32, #tpu.memory_space<vmem>> -> memref<1x16xi32, #tpu.memory_space<vmem>>
        %dma_start3A_86 = tpu.memref_squeeze %dma_start3A_85 : memref<1x16xi32, #tpu.memory_space<vmem>> -> memref<16xi32, #tpu.memory_space<vmem>>
        %dma_start3A_87 = arith.constant 0 : i32
        %dma_start3A_88 = arith.constant 0 : i32
        %dma_start3A_89 = tpu.memref_slice %arg2[%dma_start3A_87, %dma_start3A_88] : memref<100000x1024xf32, #tpu.memory_space<hbm>> -> memref<100000x1024xf32, #tpu.memory_space<hbm>>
        tpu.enqueue_indirect_dma source(%dma_start3A_89 : memref<100000x1024xf32, #tpu.memory_space<hbm>>) target(%arg6 : memref<16x1024xf32, #tpu.memory_space<vmem>>) offsets(%dma_start3A_86 : memref<16xi32, #tpu.memory_space<vmem>>) semaphore(%arg8 : memref<!tpu.dma_semaphore, #tpu.memory_space<semaphore_mem>>)
      } else {
      }
      %add3A_58 = arith.constant 1 : i32
      %add3A_59 = arith.addi %add3A_28, %add3A_58 : i32
      %dma_wait3A_60 = arith.constant 0 : i32
      %dma_wait3A_61 = tpu.memref_slice %arg5[%add3A_59, %dma_wait3A_60] : memref<8x16xi32, #tpu.memory_space<vmem>> -> memref<1x16xi32, #tpu.memory_space<vmem>>
      %dma_wait3A_62 = tpu.memref_squeeze %dma_wait3A_61 : memref<1x16xi32, #tpu.memory_space<vmem>> -> memref<16xi32, #tpu.memory_space<vmem>>
      %dma_wait3A_63 = arith.constant 0 : i32
      %dma_wait3A_64 = arith.constant 0 : i32
      %dma_wait3A_65 = tpu.memref_slice %arg2[%dma_wait3A_63, %dma_wait3A_64] : memref<100000x1024xf32, #tpu.memory_space<hbm>> -> memref<100000x1024xf32, #tpu.memory_space<hbm>>
      tpu.wait_indirect_dma semaphore(%arg9 : memref<!tpu.dma_semaphore, #tpu.memory_space<semaphore_mem>>) src(%dma_wait3A_65 : memref<100000x1024xf32, #tpu.memory_space<hbm>>) dst(%arg7 : memref<16x1024xf32, #tpu.memory_space<vmem>>)
      %add3A_66 = arith.constant 1 : i32
      %add3A_67 = arith.addi %add3A_28, %add3A_66 : i32
      %mul3A_68 = arith.constant 16 : i32
      %mul3A_69 = arith.muli %add3A_67, %mul3A_68 : i32
      %add3A_70 = arith.addi %mul3A_2, %mul3A_69 : i32
      %dma_start3A_71 = arith.constant 0 : i32
      %dma_start3A_72 = tpu.memref_slice %arg4[%add3A_70, %dma_start3A_71] : memref<4096x1024xf32, #tpu.memory_space<hbm>> -> memref<16x1024xf32, #tpu.memory_space<hbm>>
      %dma_start3A_73 = arith.constant 0 : i32
      %dma_start3A_74 = tpu.memref_slice %arg4[%add3A_70, %dma_start3A_73] : memref<4096x1024xf32, #tpu.memory_space<hbm>> -> memref<16x1024xf32, #tpu.memory_space<hbm>>
      tpu.enqueue_dma source(%arg7 : memref<16x1024xf32, #tpu.memory_space<vmem>>) target(%dma_start3A_74 : memref<16x1024xf32, #tpu.memory_space<hbm>>) target_semaphore(%arg11 : memref<!tpu.dma_semaphore, #tpu.memory_space<semaphore_mem>>)
    }
    %scan3A_12 = arith.constant 4 : i32
    %add3A_13 = arith.constant 96 : i32
    %add3A_14 = arith.addi %mul3A_2, %add3A_13 : i32
    %dma_wait3A = arith.constant 0 : i32
    %dma_wait3A_15 = tpu.memref_slice %arg4[%add3A_14, %dma_wait3A] : memref<4096x1024xf32, #tpu.memory_space<hbm>> -> memref<16x1024xf32, #tpu.memory_space<hbm>>
    %dma_wait3A_16 = arith.constant 0 : i32
    %dma_wait3A_17 = tpu.memref_slice %arg4[%add3A_14, %dma_wait3A_16] : memref<4096x1024xf32, #tpu.memory_space<hbm>> -> memref<16x1024xf32, #tpu.memory_space<hbm>>
    tpu.wait_dma2 semaphore(%arg10 : memref<!tpu.dma_semaphore, #tpu.memory_space<semaphore_mem>>) src(%arg6 : memref<16x1024xf32, #tpu.memory_space<vmem>>) dst(%dma_wait3A_17 : memref<16x1024xf32, #tpu.memory_space<hbm>>)
    %add3A_18 = arith.constant 112 : i32
    %add3A_19 = arith.addi %mul3A_2, %add3A_18 : i32
    %dma_wait3A_20 = arith.constant 0 : i32
    %dma_wait3A_21 = tpu.memref_slice %arg4[%add3A_19, %dma_wait3A_20] : memref<4096x1024xf32, #tpu.memory_space<hbm>> -> memref<16x1024xf32, #tpu.memory_space<hbm>>
    %dma_wait3A_22 = arith.constant 0 : i32
    %dma_wait3A_23 = tpu.memref_slice %arg4[%add3A_19, %dma_wait3A_22] : memref<4096x1024xf32, #tpu.memory_space<hbm>> -> memref<16x1024xf32, #tpu.memory_space<hbm>>
    tpu.wait_dma2 semaphore(%arg11 : memref<!tpu.dma_semaphore, #tpu.memory_space<semaphore_mem>>) src(%arg7 : memref<16x1024xf32, #tpu.memory_space<vmem>>) dst(%dma_wait3A_23 : memref<16x1024xf32, #tpu.memory_space<hbm>>)
    return
  }
}

module attributes {stable_mosaic.version = 14 : i64} {
  func.func @_add_next_body(%arg0: i32, %arg1: i32, %arg2: memref<8x128xf32, #tpu.memory_space<vmem>>, %arg3: memref<256x1024xf32, #tpu.memory_space<vmem>>, %arg4: memref<256x1024xf32, #tpu.memory_space<vmem>>, %arg5: memref<256x1024xf32, #tpu.memory_space<vmem>>) attributes {dimension_semantics = [#tpu.dimension_semantics<arbitrary>, #tpu.dimension_semantics<arbitrary>], iteration_bounds = array<i64: 8, 2>, scalar_prefetch = 0 : i64, scratch_operands = 0 : i64, tpu.core_type = #tpu.core_type<tc>, window_params = [{transform_indices = @transform_0, window_bounds = array<i64: 8, 128>}, {transform_indices = @transform_1, window_bounds = array<i64: 256, 1024>}, {transform_indices = @transform_2, window_bounds = array<i64: 256, 1024>}, {transform_indices = @transform_3, window_bounds = array<i64: 256, 1024>}]} {
    %get3A = arith.constant 0 : index
    %get3A_0 = arith.constant 0 : index
    %get3A_1 = vector.load %arg3[%get3A, %get3A_0] : memref<256x1024xf32, #tpu.memory_space<vmem>>, vector<256x1024xf32>
    %get3A_2 = arith.constant 0 : index
    %get3A_3 = arith.constant 0 : index
    %get3A_4 = vector.load %arg4[%get3A_2, %get3A_3] : memref<256x1024xf32, #tpu.memory_space<vmem>>, vector<256x1024xf32>
    %add3A = arith.addf %get3A_1, %get3A_4 : vector<256x1024xf32>
    %swap3A = arith.constant 0 : index
    %swap3A_5 = arith.constant 0 : index
    %swap3A_6 = vector.load %arg5[%swap3A, %swap3A_5] : memref<256x1024xf32, #tpu.memory_space<vmem>>, vector<256x1024xf32>
    tpu.vector_store %arg5[%swap3A, %swap3A_5], %add3A {strides = array<i32>} : memref<256x1024xf32, #tpu.memory_space<vmem>>, vector<256x1024xf32>,
    return
  }
  func.func @transform_0(%arg0: i32, %arg1: i32) -> (i32, i32) {
    %c0_i32 = arith.constant 0 : i32
    %c0_i32_0 = arith.constant 0 : i32
    %c0_i32_1 = arith.constant 0 : i32
    return %c0_i32, %c0_i32_0 : i32, i32
  }
  func.func @transform_1(%arg0: i32, %arg1: i32) -> (i32, i32) {
    %mul3A = arith.constant 8 : i32
    %mul3A_0 = arith.muli %arg1, %mul3A : i32
    %add3A = arith.addi %mul3A_0, %arg0 : i32
    %c0_i32 = arith.constant 0 : i32
    %c0_i32_1 = arith.constant 0 : i32
    return %add3A, %c0_i32 : i32, i32
  }
  func.func @transform_2(%arg0: i32, %arg1: i32) -> (i32, i32) {
    %c0_i32 = arith.constant 0 : i32
    %c0_i32_0 = arith.constant 0 : i32
    return %arg0, %c0_i32 : i32, i32
  }
  func.func @transform_3(%arg0: i32, %arg1: i32) -> (i32, i32) {
    %add3A = arith.constant 2 : i32
    %add3A_0 = arith.addi %add3A, %arg1 : i32
    %mul3A = arith.constant 8 : i32
    %mul3A_1 = arith.muli %add3A_0, %mul3A : i32
    %add3A_2 = arith.addi %mul3A_1, %arg0 : i32
    %c0_i32 = arith.constant 0 : i32
    %c0_i32_3 = arith.constant 0 : i32
    return %add3A_2, %c0_i32 : i32, i32
  }
}

module attributes {stable_mosaic.version = 14 : i64} {
  func.func @_add_first_body(%arg0: i32, %arg1: i32, %arg2: memref<256x1024xf32, #tpu.memory_space<vmem>>, %arg3: memref<256x1024xf32, #tpu.memory_space<vmem>>, %arg4: memref<256x1024xf32, #tpu.memory_space<vmem>>) attributes {dimension_semantics = [#tpu.dimension_semantics<arbitrary>, #tpu.dimension_semantics<arbitrary>], iteration_bounds = array<i64: 8, 2>, scalar_prefetch = 0 : i64, scratch_operands = 0 : i64, tpu.core_type = #tpu.core_type<tc>, window_params = [{transform_indices = @transform_0, window_bounds = array<i64: 256, 1024>}, {transform_indices = @transform_1, window_bounds = array<i64: 256, 1024>}, {transform_indices = @transform_2, window_bounds = array<i64: 256, 1024>}]} {
    %get3A = arith.constant 0 : index
    %get3A_0 = arith.constant 0 : index
    %get3A_1 = vector.load %arg2[%get3A, %get3A_0] : memref<256x1024xf32, #tpu.memory_space<vmem>>, vector<256x1024xf32>
    %get3A_2 = arith.constant 0 : index
    %get3A_3 = arith.constant 0 : index
    %get3A_4 = vector.load %arg3[%get3A_2, %get3A_3] : memref<256x1024xf32, #tpu.memory_space<vmem>>, vector<256x1024xf32>
    %add3A = arith.addf %get3A_1, %get3A_4 : vector<256x1024xf32>
    %swap3A = arith.constant 0 : index
    %swap3A_5 = arith.constant 0 : index
    %swap3A_6 = vector.load %arg4[%swap3A, %swap3A_5] : memref<256x1024xf32, #tpu.memory_space<vmem>>, vector<256x1024xf32>
    tpu.vector_store %arg4[%swap3A, %swap3A_5], %add3A {strides = array<i32>} : memref<256x1024xf32, #tpu.memory_space<vmem>>, vector<256x1024xf32>,
    return
  }
  func.func @transform_0(%arg0: i32, %arg1: i32) -> (i32, i32) {
    %mul3A = arith.constant 8 : i32
    %mul3A_0 = arith.muli %arg1, %mul3A : i32
    %add3A = arith.addi %mul3A_0, %arg0 : i32
    %c0_i32 = arith.constant 0 : i32
    %c0_i32_1 = arith.constant 0 : i32
    return %add3A, %c0_i32 : i32, i32
  }
  func.func @transform_1(%arg0: i32, %arg1: i32) -> (i32, i32) {
    %c0_i32 = arith.constant 0 : i32
    %c0_i32_0 = arith.constant 0 : i32
    return %arg0, %c0_i32 : i32, i32
  }
  func.func @transform_2(%arg0: i32, %arg1: i32) -> (i32, i32) {
    %add3A = arith.constant 0 : i32
    %add3A_0 = arith.addi %add3A, %arg1 : i32
    %mul3A = arith.constant 8 : i32
    %mul3A_1 = arith.muli %add3A_0, %mul3A : i32
    %add3A_2 = arith.addi %mul3A_1, %arg0 : i32
    %c0_i32 = arith.constant 0 : i32
    %c0_i32_3 = arith.constant 0 : i32
    return %add3A_2, %c0_i32 : i32, i32
  }
}

</mosaic_0001>

<sc_bundles>
// kernel: kernel.6.cloned.1.call-start
scs
__scs_entry_jumppad:
0x0: {  	(pc) =	sbr.rel $0x88, $3  }
0x1: {  	(tag) =	ssettag $0x0;
	lr =	simm.s32 $0x1  }
0x2: {  	[smem:$0x3F9F] =	sst lr;
	_ =	strace $0xD0000000  }
0x3: {  	_ = 	snop  }
0x4: {  	_ = 	snop  }
0x5: {  	_ = 	snop  }
0x6: {  	_ = 	snop  }
0x7: {  	_ = 	snop  }
__scs_overlays_trampoline_lowered:
0x8: {  	[smem:$0x3FAE] =	sst s0  }
0x9: {  	[smem:$0x3FAF] =	sst s1  }
0xa: {  	[smem:$0x3FB0] =	sst s2  }
0xb: {  	[smem:$0x3FB1] =	sst s3  }
0xc: {  	[smem:$0x3FB2] =	sst s4  }
0xd: {  	[smem:$0x3FB3] =	sst s5  }
0xe: {  	[smem:$0x3FB4] =	sst s6  }
0xf: {  	[smem:$0x3FB5] =	sst s7  }
0x10: {  	[smem:$0x3FB6] =	sst s8  }
0x11: {  	[smem:$0x3FB7] =	sst s9;
	s0 =	simm.s32 @!p0 $0x0  }
0x12: {  	s1 =	sld [smem:$0x3F9D];
	s0 =	simm.s32 @p0 $0x1  }
0x13: {  	[smem:$0x3FB8] =	sst s0;
	s0 =	simm.s32 @!p1 $0x0  }
0x14: {  	s2 =	sld [smem:$0x3F9C];
	s0 =	simm.s32 @p1 $0x1  }
0x15: {  	[smem:$0x3FB9] =	sst s0;
	s0 =	simm.s32 @!p2 $0x0  }
0x16: {  	s3 =	sld [smem:$0x3FDB];
	s0 =	simm.s32 @p2 $0x1  }
0x17: {  	s4 =	simm.s32 $0x1BF5;
	[smem:$0x3FBB] =	sst s0  }
0x18: {  	s0 =	sld [smem:$0x3F9E];
	_ =	swait.ge [sflag:s4], $0x0  }
0x19: {  	s7 =	sld [smem:$0x3F9F]  }
0x1a: {  	s8 =	sadd.s32 $0xFFFFE003, lr  }
0x1b: {  	s9 =	sadd.s32 $0xFFFFFEF7, lr;
	s5 =	simm.s32 $0xFFFFFFFF;
	p2 =	slt.u32 s8, $0xFFFFF086  }
0x1c: {  	p1 =	slt.u32 s9, $0xF7A;
	s5 =	simm.s32 @!p2 $0x0  }
0x1d: {  	s5 =	simm.s32 @p1 $0x1;
	p0 =	seq.s32 s7, s2  }
0x1e: {  	s7 =	smul.u32 @!p0 $0xF7A, s2;
	p2 =	seq.s32 @!p0 s5, $0x0  }
0x1f: {  	s9 =	smul.u32 $0xF7A, s1;
	s8 =	simm.s32 @!p0 $0x1BF5;
	p2 =	por !p2, p0  }
0x20: {  	[sflag:s8] =	ssyncset.s32 @!p0 $0xFFFFF086;
	s6 =	sadd.s32 @!p0 s3, s7;
	s7 =	simm.s32 @!p0 $0x108  }
0x21: {  	s3 =	sadd.s32 s3, s9;
	s6 =	sadd.s32 @!p0 $0x88, s6;
	s7 =	simm.s32 @p2 $0x1082  }
0x22: {  	[simem:s7], [sflag:s8] =	dma.local @!p0 [hbm:s6], $0xF7A  }
0x23: {  	s9 =	sor.u32 $0xD0000000, s2;
	s6 =	simm.s32 $0x108;
	_ =	swait.ge @!p0 [sflag:s8], $0x0  }
0x24: {  	s3 =	sadd.s32 $0x88, s3;
	s6 =	simm.s32 @!p1 $0x1082;
	[sflag:s4] =	ssyncset.s32 $0xFFFFF086  }
0x25: {  	[simem:s6], [sflag:s4] =	dma.local [hbm:s3], $0xF7A  }
0x26: {  	[smem:$0x3F9F] =	sst s1;
	(tag) =	ssettag s2;
	_ =	strace s9  }
0x27: {  	s1 =	sld [smem:$0x3FAF]  }
0x28: {  	s2 =	sld [smem:$0x3FB0]  }
0x29: {  	s4 =	sld [smem:$0x3FB2]  }
0x2a: {  	p0 =	seq.s32 s5, $0x0;
	s5 =	sld [smem:$0x3FB3]  }
0x2b: {  	s6 =	sld [smem:$0x3FB4]  }
0x2c: {  	s7 =	sld [smem:$0x3FB5]  }
0x2d: {  	s3 =	simm.s32 $0x108;
	s8 =	sld [smem:$0x3FB6]  }
0x2e: {  	s3 =	simm.s32 @!p0 $0x1082;
	s9 =	sld [smem:$0x3FB7]  }
0x2f: {  	lr =	sadd.s32 s0, s3;
	s0 =	sld [smem:$0x3FAE]  }
0x30: {  	s3 =	sld [smem:$0x3FB1]  }
0x31: {  	[smem:$0x3FBA] =	sst s10  }
0x32: {  	s10 =	sld [smem:$0x3FB8];
	_ =	sdelay $0x3  }
0x33: {  	p0 =	seq.s32 s10, $0x1;
	s10 =	sld [smem:$0x3FBA];
	_ =	sdelay $0x3  }
0x34: {  	[smem:$0x3FBA] =	sst s10  }
0x35: {  	s10 =	sld [smem:$0x3FB9];
	_ =	sdelay $0x3  }
0x36: {  	p1 =	seq.s32 s10, $0x1;
	s10 =	sld [smem:$0x3FBA];
	_ =	sdelay $0x3  }
0x37: {  	[smem:$0x3FBA] =	sst s10  }
0x38: {  	s10 =	sld [smem:$0x3FBB]  }
0x39: {  	_ = 	snop;
	(pc) =	sbr.ind lr, $3  }
0x3a: {  	_ = 	snop  }
0x3b: {  	_ = 	snop  }
0x3c: {  	p2 =	seq.s32 s10, $0x1;
	s10 =	sld [smem:$0x3FBA]  }
0x3d: {  	_ =	shalt  }
0x3e: {  	_ =	shalt  }
0x3f: {  	_ =	shalt  }
0x40: {  	_ =	shalt  }
0x41: {  	_ =	shalt  }
0x42: {  	_ =	shalt  }
0x43: {  	_ =	shalt  }
0x44: {  	_ =	shalt  }
0x45: {  	_ =	shalt  }
0x46: {  	_ =	shalt  }
0x47: {  	_ =	shalt  }
0x48: {  	_ =	shalt  }
0x49: {  	_ =	shalt  }
0x4a: {  	_ =	shalt  }
0x4b: {  	_ =	shalt  }
0x4c: {  	_ =	shalt  }
0x4d: {  	_ =	shalt  }
0x4e: {  	_ =	shalt  }
0x4f: {  	_ =	shalt  }
0x50: {  	_ =	shalt  }
0x51: {  	_ =	shalt  }
0x52: {  	_ =	shalt  }
0x53: {  	_ =	shalt  }
0x54: {  	_ =	shalt  }
0x55: {  	_ =	shalt  }
0x56: {  	_ =	shalt  }
0x57: {  	_ =	shalt  }
0x58: {  	_ =	shalt  }
0x59: {  	_ =	shalt  }
0x5a: {  	_ =	shalt  }
0x5b: {  	_ =	shalt  }
0x5c: {  	_ =	shalt  }
0x5d: {  	_ =	shalt  }
0x5e: {  	_ =	shalt  }
0x5f: {  	_ =	shalt  }
0x60: {  	_ =	shalt  }
0x61: {  	_ =	shalt  }
0x62: {  	_ =	shalt  }
0x63: {  	_ =	shalt  }
0x64: {  	_ =	shalt  }
0x65: {  	_ =	shalt  }
0x66: {  	_ =	shalt  }
0x67: {  	_ =	shalt  }
0x68: {  	_ =	shalt  }
0x69: {  	_ =	shalt  }
0x6a: {  	_ =	shalt  }
0x6b: {  	_ =	shalt  }
0x6c: {  	_ =	shalt  }
0x6d: {  	_ =	shalt  }
0x6e: {  	_ =	shalt  }
0x6f: {  	_ =	shalt  }
0x70: {  	_ =	shalt  }
0x71: {  	_ =	shalt  }
0x72: {  	_ =	shalt  }
0x73: {  	_ =	shalt  }
0x74: {  	_ =	shalt  }
0x75: {  	_ =	shalt  }
0x76: {  	_ =	shalt  }
0x77: {  	_ =	shalt  }
0x78: {  	_ =	shalt  }
0x79: {  	_ =	shalt  }
0x7a: {  	_ =	shalt  }
0x7b: {  	_ =	shalt  }
0x7c: {  	_ =	shalt  }
0x7d: {  	_ =	shalt  }
0x7e: {  	_ =	shalt  }
0x7f: {  	_ =	shalt  }
0x80: {  	_ =	shalt  }
0x81: {  	_ =	shalt  }
0x82: {  	_ =	shalt  }
0x83: {  	_ =	shalt  }
0x84: {  	_ =	shalt  }
0x85: {  	_ =	shalt  }
0x86: {  	_ =	shalt  }
0x87: {  	_ =	shalt  }
.Lfunc_end0:
.L_simem_size_0:
called_computation_lowered:
.L_overlay_start_0:
0x88: {  	s2 =	sld [smem:$0x3FD9]  }
0x89: {  	s3 =	sld [smem:$0x3FFE];
	_ =	sdelay $0x1  }
0x8a: {  	s1 =	srdreg.scid  }
0x8b: {  	s0 =	sand.u32 $0x1, s1  }
0x8c: {  	s17 =	sshll.u32 s0, $0xA;
	s2 =	sadd.s32 s3, s2  }
0x8d: {  	s2 =	sadd.s32 s2, s17  }
0x8e: {  	[smem:$0x3FC6] =	sst s2  }
0x8f: {  	_ = 	snop  }
0x90: {  	s2 =	sld [smem:$0x3FC8]  }
0x91: {  	s18 =	sld [smem:$0x3FD0];
	(tm) =	ssettm $0x1  }
0x92: {  	s4 =	sld [smem:$0x3FFB];
	_ =	sdelay $0x3  }
0x93: {  	_ =	strace s4  }
0x94: {  	s4 =	sld [smem:$0x3FFC];
	_ =	sdelay $0x3  }
0x95: {  	_ =	strace s4  }
0x96: {  	s4 =	sld [smem:$0x3FFD];
	_ =	sdelay $0x3  }
0x97: {  	_ =	strace s4  }
0x98: {  	_ =	strace $0x8FFFFFFF  }
0x99: {  	s19 =	sld [smem:$0x3FDB];
	_ =	sdelay $0x1  }
0x9a: {  	s5 =	simm.s32 $_scs_section_size  }
0x9b: {  	s6 =	simm.s32 $_size__tile_overlayer_lowered;
	s7 =	simm.s32 $_tile_overlayer_lowered  }
0x9c: {  	s22 =	simm.s32 $0x1BFF;
	s21 =	sshll.u32 s7, $0x1;
	s4 =	sadd.s32 s5, s19  }
0x9d: {  	s8 =	simm.s32 $0x0;
	s20 =	sshll.u32 s6, $0x1;
	s6 =	sadd.s32 s21, s4  }
0x9e: {  	[timem:s8], [sflag:s22] =	dma.local [hbm:s6], s20  }
0x9f: {  	_ =	swait.ge [sflag:s22], s20  }
0xa0: {  	s5 =	ssub.s32 $0x0, s20;
	[sflag:s22] =	ssyncset.done $0x0  }
0xa1: {  	[sflag:s22] =	ssyncadd.s32 s5;
	_ =	sdelay $0x1  }
0xa2: {  	s23 =	simm.s32 $0x1B8B  }
0xa3: {  	_ =	swait.ge [sflag:s23], $0x1  }
0xa4: {  	[sflag:s23] =	ssyncset.done $0x0  }
0xa5: {  	s25 =	simm.s32 $0x1B8E;
	s24 =	sld [smem:$0x3FFE];
	[sflag:s23] =	ssyncadd.s32 $0xFFFFFFFF  }
0xa6: {  	s26 =	simm.s32 $execute0_lowered;
	[smem:$0x3FD2] =	sst s25  }
0xa7: {  	s6 =	sshll.u32 s26, $0x1;
	_ =	strace $0x80000046;
	[dreg:$0x1] =	wrdreg $0xFFFFFFFF  }
0xa8: {  	s28 =	simm.s32 $_size_execute0_lowered;
	s4 =	sadd.s32 s4, s6;
	[dreg:$0x0] =	wrdreg $0x0  }
0xa9: {  	s6 =	sshll.u32 s28, $0x1;
	[dreg:$0x2] =	wrdreg s4  }
0xaa: {  	[dreg:$0x3] =	wrdreg s6  }
0xab: {  	[dreg:$0x4] =	wrdreg $0xC0  }
0xac: {  	_ =	task [dreg:s8], $0x5FFFF  }
0xad: {  	[dreg:$0x1] =	wrdreg $0xFFFFFFFF  }
0xae: {  	[dreg:$0x0] =	wrdreg $0x60  }
0xaf: {  	[dreg:$0x2] =	wrdreg s2  }
0xb0: {  	[dreg:$0x3] =	wrdreg s18  }
0xb1: {  	[dreg:$0x4] =	wrdreg s24  }
0xb2: {  	[dreg:$0x5] =	wrdreg $0x9  }
0xb3: {  	_ =	task.clear_ibuf [dreg:s8], $0x6FFFF;
	_ =	strace $0x90000046  }
0xb4: {  	s29 =	simm.s32 $0x9;
	_ =	strace $0x80000048  }
0xb5: {  	_ =	swait.ge [sflag:s29], $0x1  }
0xb6: {  	[sflag:s29] =	ssyncadd.s32 $0xFFFFFFFF  }
0xb7: {  	_ =	strace $0x90000048  }
0xb8: {  	_ =	sfence  }
0xb9: {  	s30 =	sld [smem:$0x0];
	_ =	sdelay $0x2  }
0xba: {  	s31 =	sshll.u32 s1, $0xD;
	s1 =	sshrl.u32 s1, $0x2  }
0xbb: {  	s3 =	sand.u32 $0x4000, s31;
	s1 =	sadd.s32 s1, s30  }
0xbc: {  	s0 =	sor.u32 s3, s0;
	s1 =	sshll.u32 s1, $0x11  }
0xbd: {  	s0 =	sor.u32 s1, s0  }
0xbe: {  	s0 =	sadd.s32 $0x8F2B, s0  }
0xbf: {  	[sflag:s0] =	ssyncadd.remote.s32 $0x1  }
0xc0: {  	_ =	sfence.sel $0xFFFF  }
0xc1: {  	[dreg:$0x0] =	wrdreg $0xFFFFFFFF;
	(pc) =	sbr.abs _section_cstart, $3  }
0xc2: {  	[dreg:$0x1] =	wrdreg $0xFFFFFFFF  }
0xc3: {  	_ =	task.clear_ibuf [dreg:s8], $0x2FFFF;
	_ =	strace $0x9FFFFFFF  }
0xc4: {  	(tm) =	ssettm $0x7FFFFFFF  }
0xc5: {  	_ =	shalt  }
tec
execute0_lowered:
.L_overlay_start_1:
0x0: {  	(tag) =	ssettag $0x1  }
0x1: {  	s1 =	rddreg [dreg:$0x0]  }
0x2: {  	s2 =	rddreg [dreg:$0x1];
	s3 =	srdreg.scid  }
0x3: {  	s0 =	stileid.u32;
	s4 =	rddreg [dreg:$0x2];
	s11 =	simm.s32 $0x5  }
0x4: {  	s12 =	simm.s32 $0x400;
	s13 =	simm.s32 $0xC00;
	s14 =	simm.s32 $0x1400  }
0x5: {  	s15 =	simm.s32 $0x1C00;
	s16 =	simm.s32 $0x2400;
	s17 =	simm.s32 $0x2C00  }
0x6: {  	s18 =	simm.s32 $0x3400;
	s19 =	simm.s32 $0x3C00;
	s28 =	simm.s32 $0x7C00  }
0x7: {  	s29 =	simm.s32 $0x1;
	s30 =	simm.s32 $0x3;
	s31 =	simm.s32 $0x2  }
0x8: {  	s5 =	sand.u32 $0x1, s3;
	s6 =	sshll.u32 s0, $0x1;
	s3 =	simm.s32 $0x0  }
0x9: {  	s6 =	sor.u32 s5, s6;
	[smem:$0x7FF] =	sst s3;
	s20 =	ssub.s32 $0x2, s5  }
0xa: {  	s7 =	sshll.u32 s6, $0xE;
	s6 =	sshll.u32 s6, $0x7;
	_ =	strace $0x80000047  }
0xb: {  	s5 =	sshrl.u32 s20, $0x1;
	s10 =	sadd.s32 s7, s4;
	s2 =	sadd.s32 s2, s6  }
0xc: {  	s23 =	ssub.s32 s20, s5;
	s4 =	sadd.s32 $0x100, s1;
	s5 =	sadd.s32 $0x200, s1  }
0xd: {  	s6 =	sadd.s32 $0x300, s1;
	s20 =	simm.s32 $0x4400;
	[dreg:$0x4] =	wrdreg s2  }
0xe: {  	s21 =	sadd.s32 $0xC00, s10;
	s22 =	sadd.s32 $0x1400, s10;
	s24 =	sadd.s32 $0x1C00, s10  }
0xf: {  	s25 =	sadd.s32 $0x2400, s10;
	s26 =	sadd.s32 $0x2C00, s10;
	[dreg:$0x5] =	wrdreg s21  }
0x10: {  	s7 =	smax.u32 s23, $0x1;
	s8 =	sadd.s32 $0x3400, s10;
	[dreg:$0x6] =	wrdreg s22  }
0x11: {  	s9 =	sadd.s32 $0x3C00, s10;
	s10 =	sadd.s32 $0x4400, s10;
	[dreg:$0x7] =	wrdreg s24  }
0x12: {  	v2 =	vlaneseq.u32;
	s23 =	simm.s32 $0x5C00;
	s2 =	simm.s32 $0x4;
	[dreg:$0x8] =	wrdreg s25  }
0x13: {  	vm0 =	vmmov $0xffff;
	v1 =	vshrl.u32 v2, $0x3;
	[dreg:$0x9] =	wrdreg s26;
	s21 =	simm.s32 $0x4C00;
	s22 =	simm.s32 $0x5400  }
0x14: {  	v0 =	vand.u32 $0x7, v2;
	v2 =	vor.u32 $0x8, v2;
	v1 =	vmul.u32 $0x8, v1;
	s24 =	simm.s32 $0x6400;
	s25 =	simm.s32 $0x6C00;
	s26 =	simm.s32 $0x7400  }
.LBB2_1:
0x15: {  	s0 =	rddreg [dreg:$0x4]  }
0x16: {  	[tilespmem:s3], [sflag:$0x5] =	stream.linear.gather [hbm4b:s0+s3], $0x400, $0x38;
	[tilespmem:$0x8400] =	vst v63  }
0x17: {  	_ =	swait.ge [sflag:s11], $0x400  }
0x18: {  	[sflag:s11] =	ssyncset.done $0x0  }
0x19: {  	[sflag:s11] =	ssyncadd.s32 $0xFFFFFC00  }
0x1a: {  	v3 =	vld [tilespmem:$0x0];
	_ =	sdelay $0x4  }
0x1b: {  	v4 =	vshll.u32 v3, $0x3  }
0x1c: {  	v3 =	vand.u32 $0x7, v3;
	v4 =	vand.u32 $0xFFFFFFC0, v4  }
0x1d: {  	v3 =	vor.u32 v3, v4  }
0x1e: {  	v4 =	vperm.xlane v3, v0;
	_ =	sdelay $0x1  }
0x1f: {  	v4 =	vadd.s32 v1, v4;
	_ =	sdelay $0x4  }
0x20: {  	[tilespmem:s12], [sflag:$0x1] =	stream.indirect_vreg.gather [hbm4b:s1+s3], $0x80, v4, vm0, $0xb8;
	[tilespmem:$0x8400] =	vst v63  }
0x21: {  	v3 =	vperm.xlane v3, v2  }
0x22: {  	[tilespmem:s13], [sflag:$0x1] =	stream.indirect_vreg.gather [hbm4b:s4+s3], $0x80, v4, vm0, $0xb8;
	[tilespmem:$0x8400] =	vst v63  }
0x23: {  	v3 =	vadd.s32 v1, v3  }
0x24: {  	[tilespmem:s14], [sflag:$0x1] =	stream.indirect_vreg.gather [hbm4b:s5+s3], $0x80, v4, vm0, $0xb8;
	[tilespmem:$0x8400] =	vst v63  }
0x25: {  	_ = 	snop  }
0x26: {  	[tilespmem:s15], [sflag:$0x1] =	stream.indirect_vreg.gather [hbm4b:s6+s3], $0x80, v4, vm0, $0xb8;
	[tilespmem:$0x8400] =	vst v63  }
0x27: {  	_ = 	snop  }
0x28: {  	[tilespmem:s16], [sflag:$0x1] =	stream.indirect_vreg.gather [hbm4b:s1+s3], $0x80, v3, vm0, $0xb8;
	[tilespmem:$0x8400] =	vst v63  }
0x29: {  	_ = 	snop  }
0x2a: {  	[tilespmem:s17], [sflag:$0x1] =	stream.indirect_vreg.gather [hbm4b:s4+s3], $0x80, v3, vm0, $0xb8;
	[tilespmem:$0x8400] =	vst v63  }
0x2b: {  	_ = 	snop  }
0x2c: {  	[tilespmem:s18], [sflag:$0x1] =	stream.indirect_vreg.gather [hbm4b:s5+s3], $0x80, v3, vm0, $0xb8;
	[tilespmem:$0x8400] =	vst v63  }
0x2d: {  	_ = 	snop  }
0x2e: {  	[tilespmem:s19], [sflag:$0x1] =	stream.indirect_vreg.gather [hbm4b:s6+s3], $0x80, v3, vm0, $0xb8;
	[tilespmem:$0x8400] =	vst v63  }
0x2f: {  	v3 =	vld [tilespmem:$0x80];
	_ =	sdelay $0x4  }
0x30: {  	v57 =	vshll.u32 v3, $0x3  }
0x31: {  	v3 =	vand.u32 $0x7, v3;
	v4 =	vand.u32 $0xFFFFFFC0, v57  }
0x32: {  	v3 =	vor.u32 v3, v4  }
0x33: {  	v4 =	vperm.xlane v3, v0;
	_ =	sdelay $0x1  }
0x34: {  	v4 =	vadd.s32 v1, v4;
	_ =	sdelay $0x4  }
0x35: {  	[tilespmem:s20], [sflag:$0x2] =	stream.indirect_vreg.gather [hbm4b:s1+s3], $0x80, v4, vm0, $0xb8;
	[tilespmem:$0x8400] =	vst v63  }
0x36: {  	v3 =	vperm.xlane v3, v2  }
0x37: {  	[tilespmem:s21], [sflag:$0x2] =	stream.indirect_vreg.gather [hbm4b:s4+s3], $0x80, v4, vm0, $0xb8;
	[tilespmem:$0x8400] =	vst v63  }
0x38: {  	v3 =	vadd.s32 v1, v3  }
0x39: {  	[tilespmem:s22], [sflag:$0x2] =	stream.indirect_vreg.gather [hbm4b:s5+s3], $0x80, v4, vm0, $0xb8;
	[tilespmem:$0x8400] =	vst v63  }
0x3a: {  	_ = 	snop  }
0x3b: {  	[tilespmem:s23], [sflag:$0x2] =	stream.indirect_vreg.gather [hbm4b:s6+s3], $0x80, v4, vm0, $0xb8;
	[tilespmem:$0x8400] =	vst v63  }
0x3c: {  	_ = 	snop  }
0x3d: {  	[tilespmem:s24], [sflag:$0x2] =	stream.indirect_vreg.gather [hbm4b:s1+s3], $0x80, v3, vm0, $0xb8;
	[tilespmem:$0x8400] =	vst v63  }
0x3e: {  	_ = 	snop  }
0x3f: {  	[tilespmem:s25], [sflag:$0x2] =	stream.indirect_vreg.gather [hbm4b:s4+s3], $0x80, v3, vm0, $0xb8;
	[tilespmem:$0x8400] =	vst v63  }
0x40: {  	_ = 	snop  }
0x41: {  	[tilespmem:s26], [sflag:$0x2] =	stream.indirect_vreg.gather [hbm4b:s5+s3], $0x80, v3, vm0, $0xb8;
	[tilespmem:$0x8400] =	vst v63  }
0x42: {  	_ = 	snop  }
0x43: {  	[tilespmem:s28], [sflag:$0x2] =	stream.indirect_vreg.gather [hbm4b:s6+s3], $0x80, v3, vm0, $0xb8;
	[tilespmem:$0x8400] =	vst v63  }
0x44: {  	_ =	swait.ge [sflag:s29], $0x4000  }
0x45: {  	[sflag:s29] =	ssyncset.done $0x0  }
0x46: {  	s0 =	rddreg [dreg:$0x5];
	[sflag:s29] =	ssyncadd.s32 $0xFFFFC000  }
0x47: {  	[hbm4b:s0+s3] =	stream.linear.scatter [tilespmem:s12], [sflag:$0x3], $0x4000, $0x38;
	[tilespmem:$0x8400] =	vst v63  }
0x48: {  	_ =	swait.ge [sflag:s30], $0x4000  }
0x49: {  	[sflag:s30] =	ssyncset.done $0x0  }
0x4a: {  	[sflag:s30] =	ssyncadd.s32 $0xFFFFC000  }
0x4b: {  	v3 =	vld [tilespmem:$0x100];
	_ =	sdelay $0x4  }
0x4c: {  	v58 =	vshll.u32 v3, $0x3  }
0x4d: {  	v3 =	vand.u32 $0x7, v3;
	v4 =	vand.u32 $0xFFFFFFC0, v58  }
0x4e: {  	v3 =	vor.u32 v3, v4  }
0x4f: {  	v4 =	vperm.xlane v3, v0;
	_ =	sdelay $0x1  }
0x50: {  	v4 =	vadd.s32 v1, v4;
	_ =	sdelay $0x4  }
0x51: {  	[tilespmem:s12], [sflag:$0x1] =	stream.indirect_vreg.gather [hbm4b:s1+s3], $0x80, v4, vm0, $0xb8;
	[tilespmem:$0x8400] =	vst v63  }
0x52: {  	v3 =	vperm.xlane v3, v2  }
0x53: {  	[tilespmem:s13], [sflag:$0x1] =	stream.indirect_vreg.gather [hbm4b:s4+s3], $0x80, v4, vm0, $0xb8;
	[tilespmem:$0x8400] =	vst v63  }
0x54: {  	v3 =	vadd.s32 v1, v3  }
0x55: {  	[tilespmem:s14], [sflag:$0x1] =	stream.indirect_vreg.gather [hbm4b:s5+s3], $0x80, v4, vm0, $0xb8;
	[tilespmem:$0x8400] =	vst v63  }
0x56: {  	_ = 	snop  }
0x57: {  	[tilespmem:s15], [sflag:$0x1] =	stream.indirect_vreg.gather [hbm4b:s6+s3], $0x80, v4, vm0, $0xb8;
	[tilespmem:$0x8400] =	vst v63  }
0x58: {  	_ = 	snop  }
0x59: {  	[tilespmem:s16], [sflag:$0x1] =	stream.indirect_vreg.gather [hbm4b:s1+s3], $0x80, v3, vm0, $0xb8;
	[tilespmem:$0x8400] =	vst v63  }
0x5a: {  	_ = 	snop  }
0x5b: {  	[tilespmem:s17], [sflag:$0x1] =	stream.indirect_vreg.gather [hbm4b:s4+s3], $0x80, v3, vm0, $0xb8;
	[tilespmem:$0x8400] =	vst v63  }
0x5c: {  	_ = 	snop  }
0x5d: {  	[tilespmem:s18], [sflag:$0x1] =	stream.indirect_vreg.gather [hbm4b:s5+s3], $0x80, v3, vm0, $0xb8;
	[tilespmem:$0x8400] =	vst v63  }
0x5e: {  	_ = 	snop  }
0x5f: {  	[tilespmem:s19], [sflag:$0x1] =	stream.indirect_vreg.gather [hbm4b:s6+s3], $0x80, v3, vm0, $0xb8;
	[tilespmem:$0x8400] =	vst v63  }
0x60: {  	_ =	swait.ge [sflag:s31], $0x4000  }
0x61: {  	[sflag:s31] =	ssyncset.done $0x0  }
0x62: {  	s0 =	rddreg [dreg:$0x6];
	[sflag:s31] =	ssyncadd.s32 $0xFFFFC000  }
0x63: {  	[hbm4b:s0+s3] =	stream.linear.scatter [tilespmem:s20], [sflag:$0x4], $0x4000, $0x38;
	[tilespmem:$0x8400] =	vst v63  }
0x64: {  	_ =	swait.ge [sflag:s2], $0x4000  }
0x65: {  	[sflag:s2] =	ssyncset.done $0x0  }
0x66: {  	[sflag:s2] =	ssyncadd.s32 $0xFFFFC000  }
0x67: {  	v3 =	vld [tilespmem:$0x180];
	_ =	sdelay $0x4  }
0x68: {  	v59 =	vshll.u32 v3, $0x3  }
0x69: {  	v3 =	vand.u32 $0x7, v3;
	v4 =	vand.u32 $0xFFFFFFC0, v59  }
0x6a: {  	v3 =	vor.u32 v3, v4  }
0x6b: {  	v4 =	vperm.xlane v3, v0;
	_ =	sdelay $0x1  }
0x6c: {  	v4 =	vadd.s32 v1, v4;
	_ =	sdelay $0x4  }
0x6d: {  	[tilespmem:s20], [sflag:$0x2] =	stream.indirect_vreg.gather [hbm4b:s1+s3], $0x80, v4, vm0, $0xb8;
	[tilespmem:$0x8400] =	vst v63  }
0x6e: {  	v3 =	vperm.xlane v3, v2  }
0x6f: {  	[tilespmem:s21], [sflag:$0x2] =	stream.indirect_vreg.gather [hbm4b:s4+s3], $0x80, v4, vm0, $0xb8;
	[tilespmem:$0x8400] =	vst v63  }
0x70: {  	v3 =	vadd.s32 v1, v3  }
0x71: {  	[tilespmem:s22], [sflag:$0x2] =	stream.indirect_vreg.gather [hbm4b:s5+s3], $0x80, v4, vm0, $0xb8;
	[tilespmem:$0x8400] =	vst v63  }
0x72: {  	_ = 	snop  }
0x73: {  	[tilespmem:s23], [sflag:$0x2] =	stream.indirect_vreg.gather [hbm4b:s6+s3], $0x80, v4, vm0, $0xb8;
	[tilespmem:$0x8400] =	vst v63  }
0x74: {  	_ = 	snop  }
0x75: {  	[tilespmem:s24], [sflag:$0x2] =	stream.indirect_vreg.gather [hbm4b:s1+s3], $0x80, v3, vm0, $0xb8;
	[tilespmem:$0x8400] =	vst v63  }
0x76: {  	_ = 	snop  }
0x77: {  	[tilespmem:s25], [sflag:$0x2] =	stream.indirect_vreg.gather [hbm4b:s4+s3], $0x80, v3, vm0, $0xb8;
	[tilespmem:$0x8400] =	vst v63  }
0x78: {  	_ = 	snop  }
0x79: {  	[tilespmem:s26], [sflag:$0x2] =	stream.indirect_vreg.gather [hbm4b:s5+s3], $0x80, v3, vm0, $0xb8;
	[tilespmem:$0x8400] =	vst v63  }
0x7a: {  	_ = 	snop  }
0x7b: {  	[tilespmem:s28], [sflag:$0x2] =	stream.indirect_vreg.gather [hbm4b:s6+s3], $0x80, v3, vm0, $0xb8;
	[tilespmem:$0x8400] =	vst v63  }
0x7c: {  	_ =	swait.ge [sflag:s29], $0x4000  }
0x7d: {  	[sflag:s29] =	ssyncset.done $0x0  }
0x7e: {  	s0 =	rddreg [dreg:$0x7];
	[sflag:s29] =	ssyncadd.s32 $0xFFFFC000  }
0x7f: {  	[hbm4b:s0+s3] =	stream.linear.scatter [tilespmem:s12], [sflag:$0x3], $0x4000, $0x38;
	[tilespmem:$0x8400] =	vst v63  }
0x80: {  	_ =	swait.ge [sflag:s30], $0x4000  }
0x81: {  	[sflag:s30] =	ssyncset.done $0x0  }
0x82: {  	[sflag:s30] =	ssyncadd.s32 $0xFFFFC000  }
0x83: {  	v3 =	vld [tilespmem:$0x200];
	_ =	sdelay $0x4  }
0x84: {  	v60 =	vshll.u32 v3, $0x3  }
0x85: {  	v3 =	vand.u32 $0x7, v3;
	v4 =	vand.u32 $0xFFFFFFC0, v60  }
0x86: {  	v3 =	vor.u32 v3, v4  }
0x87: {  	v4 =	vperm.xlane v3, v0;
	_ =	sdelay $0x1  }
0x88: {  	v4 =	vadd.s32 v1, v4;
	_ =	sdelay $0x4  }
0x89: {  	[tilespmem:s12], [sflag:$0x1] =	stream.indirect_vreg.gather [hbm4b:s1+s3], $0x80, v4, vm0, $0xb8;
	[tilespmem:$0x8400] =	vst v63  }
0x8a: {  	v3 =	vperm.xlane v3, v2  }
0x8b: {  	[tilespmem:s13], [sflag:$0x1] =	stream.indirect_vreg.gather [hbm4b:s4+s3], $0x80, v4, vm0, $0xb8;
	[tilespmem:$0x8400] =	vst v63  }
0x8c: {  	v3 =	vadd.s32 v1, v3  }
0x8d: {  	[tilespmem:s14], [sflag:$0x1] =	stream.indirect_vreg.gather [hbm4b:s5+s3], $0x80, v4, vm0, $0xb8;
	[tilespmem:$0x8400] =	vst v63  }
0x8e: {  	_ = 	snop  }
0x8f: {  	[tilespmem:s15], [sflag:$0x1] =	stream.indirect_vreg.gather [hbm4b:s6+s3], $0x80, v4, vm0, $0xb8;
	[tilespmem:$0x8400] =	vst v63  }
0x90: {  	_ = 	snop  }
0x91: {  	[tilespmem:s16], [sflag:$0x1] =	stream.indirect_vreg.gather [hbm4b:s1+s3], $0x80, v3, vm0, $0xb8;
	[tilespmem:$0x8400] =	vst v63  }
0x92: {  	_ = 	snop  }
0x93: {  	[tilespmem:s17], [sflag:$0x1] =	stream.indirect_vreg.gather [hbm4b:s4+s3], $0x80, v3, vm0, $0xb8;
	[tilespmem:$0x8400] =	vst v63  }
0x94: {  	_ = 	snop  }
0x95: {  	[tilespmem:s18], [sflag:$0x1] =	stream.indirect_vreg.gather [hbm4b:s5+s3], $0x80, v3, vm0, $0xb8;
	[tilespmem:$0x8400] =	vst v63  }
0x96: {  	_ = 	snop  }
0x97: {  	[tilespmem:s19], [sflag:$0x1] =	stream.indirect_vreg.gather [hbm4b:s6+s3], $0x80, v3, vm0, $0xb8;
	[tilespmem:$0x8400] =	vst v63  }
0x98: {  	_ =	swait.ge [sflag:s31], $0x4000  }
0x99: {  	[sflag:s31] =	ssyncset.done $0x0  }
0x9a: {  	s0 =	rddreg [dreg:$0x8];
	[sflag:s31] =	ssyncadd.s32 $0xFFFFC000  }
0x9b: {  	[hbm4b:s0+s3] =	stream.linear.scatter [tilespmem:s20], [sflag:$0x4], $0x4000, $0x38;
	[tilespmem:$0x8400] =	vst v63  }
0x9c: {  	_ =	swait.ge [sflag:s2], $0x4000  }
0x9d: {  	[sflag:s2] =	ssyncset.done $0x0  }
0x9e: {  	[sflag:s2] =	ssyncadd.s32 $0xFFFFC000  }
0x9f: {  	v3 =	vld [tilespmem:$0x280];
	_ =	sdelay $0x4  }
0xa0: {  	v61 =	vshll.u32 v3, $0x3  }
0xa1: {  	v3 =	vand.u32 $0x7, v3;
	v4 =	vand.u32 $0xFFFFFFC0, v61  }
0xa2: {  	v3 =	vor.u32 v3, v4  }
0xa3: {  	v4 =	vperm.xlane v3, v0;
	_ =	sdelay $0x1  }
0xa4: {  	v4 =	vadd.s32 v1, v4;
	_ =	sdelay $0x4  }
0xa5: {  	[tilespmem:s20], [sflag:$0x2] =	stream.indirect_vreg.gather [hbm4b:s1+s3], $0x80, v4, vm0, $0xb8;
	[tilespmem:$0x8400] =	vst v63  }
0xa6: {  	v3 =	vperm.xlane v3, v2  }
0xa7: {  	[tilespmem:s21], [sflag:$0x2] =	stream.indirect_vreg.gather [hbm4b:s4+s3], $0x80, v4, vm0, $0xb8;
	[tilespmem:$0x8400] =	vst v63  }
0xa8: {  	v3 =	vadd.s32 v1, v3  }
0xa9: {  	[tilespmem:s22], [sflag:$0x2] =	stream.indirect_vreg.gather [hbm4b:s5+s3], $0x80, v4, vm0, $0xb8;
	[tilespmem:$0x8400] =	vst v63  }
0xaa: {  	_ = 	snop  }
0xab: {  	[tilespmem:s23], [sflag:$0x2] =	stream.indirect_vreg.gather [hbm4b:s6+s3], $0x80, v4, vm0, $0xb8;
	[tilespmem:$0x8400] =	vst v63  }
0xac: {  	_ = 	snop  }
0xad: {  	[tilespmem:s24], [sflag:$0x2] =	stream.indirect_vreg.gather [hbm4b:s1+s3], $0x80, v3, vm0, $0xb8;
	[tilespmem:$0x8400] =	vst v63  }
0xae: {  	_ = 	snop  }
0xaf: {  	[tilespmem:s25], [sflag:$0x2] =	stream.indirect_vreg.gather [hbm4b:s4+s3], $0x80, v3, vm0, $0xb8;
	[tilespmem:$0x8400] =	vst v63  }
0xb0: {  	_ = 	snop  }
0xb1: {  	[tilespmem:s26], [sflag:$0x2] =	stream.indirect_vreg.gather [hbm4b:s5+s3], $0x80, v3, vm0, $0xb8;
	[tilespmem:$0x8400] =	vst v63  }
0xb2: {  	_ = 	snop  }
0xb3: {  	[tilespmem:s28], [sflag:$0x2] =	stream.indirect_vreg.gather [hbm4b:s6+s3], $0x80, v3, vm0, $0xb8;
	[tilespmem:$0x8400] =	vst v63  }
0xb4: {  	_ =	swait.ge [sflag:s29], $0x4000  }
0xb5: {  	[sflag:s29] =	ssyncset.done $0x0  }
0xb6: {  	s0 =	rddreg [dreg:$0x9];
	[sflag:s29] =	ssyncadd.s32 $0xFFFFC000  }
0xb7: {  	[hbm4b:s0+s3] =	stream.linear.scatter [tilespmem:s12], [sflag:$0x3], $0x4000, $0x38;
	[tilespmem:$0x8400] =	vst v63  }
0xb8: {  	_ =	swait.ge [sflag:s30], $0x4000  }
0xb9: {  	[sflag:s30] =	ssyncset.done $0x0  }
0xba: {  	[sflag:s30] =	ssyncadd.s32 $0xFFFFC000  }
0xbb: {  	v3 =	vld [tilespmem:$0x300];
	_ =	sdelay $0x4  }
0xbc: {  	v62 =	vshll.u32 v3, $0x3  }
0xbd: {  	v3 =	vand.u32 $0x7, v3;
	v4 =	vand.u32 $0xFFFFFFC0, v62  }
0xbe: {  	v3 =	vor.u32 v3, v4  }
0xbf: {  	v4 =	vperm.xlane v3, v0;
	_ =	sdelay $0x1  }
0xc0: {  	v4 =	vadd.s32 v1, v4;
	_ =	sdelay $0x4  }
0xc1: {  	[tilespmem:s12], [sflag:$0x1] =	stream.indirect_vreg.gather [hbm4b:s1+s3], $0x80, v4, vm0, $0xb8;
	[tilespmem:$0x8400] =	vst v63  }
0xc2: {  	v3 =	vperm.xlane v3, v2  }
0xc3: {  	[tilespmem:s13], [sflag:$0x1] =	stream.indirect_vreg.gather [hbm4b:s4+s3], $0x80, v4, vm0, $0xb8;
	[tilespmem:$0x8400] =	vst v63  }
0xc4: {  	v3 =	vadd.s32 v1, v3  }
0xc5: {  	[tilespmem:s14], [sflag:$0x1] =	stream.indirect_vreg.gather [hbm4b:s5+s3], $0x80, v4, vm0, $0xb8;
	[tilespmem:$0x8400] =	vst v63  }
0xc6: {  	_ = 	snop  }
0xc7: {  	[tilespmem:s15], [sflag:$0x1] =	stream.indirect_vreg.gather [hbm4b:s6+s3], $0x80, v4, vm0, $0xb8;
	[tilespmem:$0x8400] =	vst v63  }
0xc8: {  	_ = 	snop  }
0xc9: {  	[tilespmem:s16], [sflag:$0x1] =	stream.indirect_vreg.gather [hbm4b:s1+s3], $0x80, v3, vm0, $0xb8;
	[tilespmem:$0x8400] =	vst v63  }
0xca: {  	_ = 	snop  }
0xcb: {  	[tilespmem:s17], [sflag:$0x1] =	stream.indirect_vreg.gather [hbm4b:s4+s3], $0x80, v3, vm0, $0xb8;
	[tilespmem:$0x8400] =	vst v63  }
0xcc: {  	_ = 	snop  }
0xcd: {  	[tilespmem:s18], [sflag:$0x1] =	stream.indirect_vreg.gather [hbm4b:s5+s3], $0x80, v3, vm0, $0xb8;
	[tilespmem:$0x8400] =	vst v63  }
0xce: {  	_ = 	snop  }
0xcf: {  	[tilespmem:s19], [sflag:$0x1] =	stream.indirect_vreg.gather [hbm4b:s6+s3], $0x80, v3, vm0, $0xb8;
	[tilespmem:$0x8400] =	vst v63  }
0xd0: {  	_ =	swait.ge [sflag:s31], $0x4000  }
0xd1: {  	[sflag:s31] =	ssyncset.done $0x0  }
0xd2: {  	[sflag:s31] =	ssyncadd.s32 $0xFFFFC000  }
0xd3: {  	[hbm4b:s8+s3] =	stream.linear.scatter [tilespmem:s20], [sflag:$0x4], $0x4000, $0x38;
	[tilespmem:$0x8400] =	vst v63  }
0xd4: {  	_ =	swait.ge [sflag:s2], $0x4000  }
0xd5: {  	[sflag:s2] =	ssyncset.done $0x0  }
0xd6: {  	[sflag:s2] =	ssyncadd.s32 $0xFFFFC000  }
0xd7: {  	v3 =	vld [tilespmem:$0x380];
	_ =	sdelay $0x4  }
0xd8: {  	v63 =	vshll.u32 v3, $0x3  }
0xd9: {  	v3 =	vand.u32 $0x7, v3;
	v4 =	vand.u32 $0xFFFFFFC0, v63  }
0xda: {  	v3 =	vor.u32 v3, v4  }
0xdb: {  	v4 =	vperm.xlane v3, v0;
	_ =	sdelay $0x1  }
0xdc: {  	v4 =	vadd.s32 v1, v4;
	_ =	sdelay $0x4  }
0xdd: {  	[tilespmem:s20], [sflag:$0x2] =	stream.indirect_vreg.gather [hbm4b:s1+s3], $0x80, v4, vm0, $0xb8;
	[tilespmem:$0x8400] =	vst v63  }
0xde: {  	v3 =	vperm.xlane v3, v2  }
0xdf: {  	[tilespmem:s21], [sflag:$0x2] =	stream.indirect_vreg.gather [hbm4b:s4+s3], $0x80, v4, vm0, $0xb8;
	[tilespmem:$0x8400] =	vst v63  }
0xe0: {  	v3 =	vadd.s32 v1, v3  }
0xe1: {  	[tilespmem:s22], [sflag:$0x2] =	stream.indirect_vreg.gather [hbm4b:s5+s3], $0x80, v4, vm0, $0xb8;
	[tilespmem:$0x8400] =	vst v63  }
0xe2: {  	_ = 	snop  }
0xe3: {  	[tilespmem:s23], [sflag:$0x2] =	stream.indirect_vreg.gather [hbm4b:s6+s3], $0x80, v4, vm0, $0xb8;
	[tilespmem:$0x8400] =	vst v63  }
0xe4: {  	_ = 	snop  }
0xe5: {  	[tilespmem:s24], [sflag:$0x2] =	stream.indirect_vreg.gather [hbm4b:s1+s3], $0x80, v3, vm0, $0xb8;
	[tilespmem:$0x8400] =	vst v63  }
0xe6: {  	_ = 	snop  }
0xe7: {  	[tilespmem:s25], [sflag:$0x2] =	stream.indirect_vreg.gather [hbm4b:s4+s3], $0x80, v3, vm0, $0xb8;
	[tilespmem:$0x8400] =	vst v63  }
0xe8: {  	_ = 	snop  }
0xe9: {  	[tilespmem:s26], [sflag:$0x2] =	stream.indirect_vreg.gather [hbm4b:s5+s3], $0x80, v3, vm0, $0xb8;
	[tilespmem:$0x8400] =	vst v63  }
0xea: {  	_ = 	snop  }
0xeb: {  	[tilespmem:s28], [sflag:$0x2] =	stream.indirect_vreg.gather [hbm4b:s6+s3], $0x80, v3, vm0, $0xb8;
	[tilespmem:$0x8400] =	vst v63  }
0xec: {  	_ =	swait.ge [sflag:s29], $0x4000  }
0xed: {  	[sflag:s29] =	ssyncset.done $0x0  }
0xee: {  	[sflag:s29] =	ssyncadd.s32 $0xFFFFC000  }
0xef: {  	[hbm4b:s9+s3] =	stream.linear.scatter [tilespmem:s12], [sflag:$0x3], $0x4000, $0x38;
	[tilespmem:$0x8400] =	vst v63  }
0xf0: {  	_ =	swait.ge [sflag:s31], $0x4000  }
0xf1: {  	[sflag:s31] =	ssyncset.done $0x0  }
0xf2: {  	[sflag:s31] =	ssyncadd.s32 $0xFFFFC000  }
0xf3: {  	[hbm4b:s10+s3] =	stream.linear.scatter [tilespmem:s20], [sflag:$0x4], $0x4000, $0x38;
	[tilespmem:$0x8400] =	vst v63  }
0xf4: {  	p0 =	sne.s32 s7, $0x1;
	_ =	swait.ge [sflag:s30], $0x4000  }
.Ltmp0:
0xf5: {  	[sflag:s30] =	ssyncset.done $0x0;
	(pc) =	sbr.rel @p0 .LBB2_1-.Ltmp0, $4  }
0xf6: {  	[sflag:s30] =	ssyncadd.s32 $0xFFFFC000  }
0xf7: {  	_ =	swait.ge [sflag:s2], $0x4000  }
0xf8: {  	[sflag:s2] =	ssyncset.done $0x0  }
0xf9: {  	s7 =	sadd.s32 $0xFFFFFFFF, s7;
	[sflag:s2] =	ssyncadd.s32 $0xFFFFC000  }
0xfa: {  	_ =	sfence.sel $0x180000  }
0xfb: {  	[bflag:$0x0] =	sbarrier.arrive $0xFFFF  }
0xfc: {  	_ =	strace $0x90000047  }
0xfd: {  	s0 =	stileid.u32;
	[bflag:$0x2] =	sbarrier.arrive $0xFFFF  }
0xfe: {  	p0 =	sne.s32 s0, $0x0;
	s0 =	rddreg [dreg:$0x3]  }
0xff: {  	s0 =	sadd.s32 @!p0 $0x100000, s0  }
0x100: {  	[sflag:s0] =	ssyncadd.tile.s32 @!p0 $0x1;
	_ =	shalt  }
.Lfunc_end2:
_tile_overlayer_lowered:
.L_overlay_start_2:
0x101: {  	(tag) =	ssettag $0x2  }
0x102: {  	s0 =	rddreg [dreg:$0x0];
	s2 =	stileid.u32  }
0x103: {  	s1 =	rddreg [dreg:$0x1];
	p0 =	sne.s32 s2, $0x0  }
0x104: {  	s3 =	rddreg [dreg:$0x2];
	[bflag:$0x3] =	sbarrier.arrive $0xFFFF;
	s2 =	simm.s32 @!p0 $0x1C05  }
0x105: {  	[timem:s3], [sflag:s2] =	dma.local @!p0 [hbm:s0], s1  }
0x106: {  	s0 =	simm.s32 @!p0 $0x5  }
0x107: {  	_ =	swait.ge @!p0 [sflag:s0], s1  }
0x108: {  	s1 =	ssub.s32 @!p0 $0x0, s1;
	[sflag:s0] =	ssyncset.done @!p0 $0x0  }
0x109: {  	[sflag:s0] =	ssyncadd.s32 @!p0 s1  }
0x10a: {  	[bflag:$0x3] =	sbarrier.arrive $0xFFFF  }
0x10b: {  	_ =	shalt  }

// kernel: kernel.9.cloned.1.call-start
scs
__scs_entry_jumppad:
0x0: {  	(pc) =	sbr.rel $0x88, $3  }
0x1: {  	(tag) =	ssettag $0x0;
	lr =	simm.s32 $0x1  }
0x2: {  	[smem:$0x3F9F] =	sst lr;
	_ =	strace $0xD0000000  }
0x3: {  	_ = 	snop  }
0x4: {  	_ = 	snop  }
0x5: {  	_ = 	snop  }
0x6: {  	_ = 	snop  }
0x7: {  	_ = 	snop  }
__scs_overlays_trampoline_lowered:
0x8: {  	[smem:$0x3FAE] =	sst s0  }
0x9: {  	[smem:$0x3FAF] =	sst s1  }
0xa: {  	[smem:$0x3FB0] =	sst s2  }
0xb: {  	[smem:$0x3FB1] =	sst s3  }
0xc: {  	[smem:$0x3FB2] =	sst s4  }
0xd: {  	[smem:$0x3FB3] =	sst s5  }
0xe: {  	[smem:$0x3FB4] =	sst s6  }
0xf: {  	[smem:$0x3FB5] =	sst s7  }
0x10: {  	[smem:$0x3FB6] =	sst s8  }
0x11: {  	[smem:$0x3FB7] =	sst s9;
	s0 =	simm.s32 @!p0 $0x0  }
0x12: {  	s1 =	sld [smem:$0x3F9D];
	s0 =	simm.s32 @p0 $0x1  }
0x13: {  	[smem:$0x3FB8] =	sst s0;
	s0 =	simm.s32 @!p1 $0x0  }
0x14: {  	s2 =	sld [smem:$0x3F9C];
	s0 =	simm.s32 @p1 $0x1  }
0x15: {  	[smem:$0x3FB9] =	sst s0;
	s0 =	simm.s32 @!p2 $0x0  }
0x16: {  	s3 =	sld [smem:$0x3FDB];
	s0 =	simm.s32 @p2 $0x1  }
0x17: {  	s4 =	simm.s32 $0x1BF5;
	[smem:$0x3FBB] =	sst s0  }
0x18: {  	s0 =	sld [smem:$0x3F9E];
	_ =	swait.ge [sflag:s4], $0x0  }
0x19: {  	s7 =	sld [smem:$0x3F9F]  }
0x1a: {  	s8 =	sadd.s32 $0xFFFFE003, lr  }
0x1b: {  	s9 =	sadd.s32 $0xFFFFFEF7, lr;
	s5 =	simm.s32 $0xFFFFFFFF;
	p2 =	slt.u32 s8, $0xFFFFF086  }
0x1c: {  	p1 =	slt.u32 s9, $0xF7A;
	s5 =	simm.s32 @!p2 $0x0  }
0x1d: {  	s5 =	simm.s32 @p1 $0x1;
	p0 =	seq.s32 s7, s2  }
0x1e: {  	s7 =	smul.u32 @!p0 $0xF7A, s2;
	p2 =	seq.s32 @!p0 s5, $0x0  }
0x1f: {  	s9 =	smul.u32 $0xF7A, s1;
	s8 =	simm.s32 @!p0 $0x1BF5;
	p2 =	por !p2, p0  }
0x20: {  	[sflag:s8] =	ssyncset.s32 @!p0 $0xFFFFF086;
	s6 =	sadd.s32 @!p0 s3, s7;
	s7 =	simm.s32 @!p0 $0x108  }
0x21: {  	s3 =	sadd.s32 s3, s9;
	s6 =	sadd.s32 @!p0 $0x88, s6;
	s7 =	simm.s32 @p2 $0x1082  }
0x22: {  	[simem:s7], [sflag:s8] =	dma.local @!p0 [hbm:s6], $0xF7A  }
0x23: {  	s9 =	sor.u32 $0xD0000000, s2;
	s6 =	simm.s32 $0x108;
	_ =	swait.ge @!p0 [sflag:s8], $0x0  }
0x24: {  	s3 =	sadd.s32 $0x88, s3;
	s6 =	simm.s32 @!p1 $0x1082;
	[sflag:s4] =	ssyncset.s32 $0xFFFFF086  }
0x25: {  	[simem:s6], [sflag:s4] =	dma.local [hbm:s3], $0xF7A  }
0x26: {  	[smem:$0x3F9F] =	sst s1;
	(tag) =	ssettag s2;
	_ =	strace s9  }
0x27: {  	s1 =	sld [smem:$0x3FAF]  }
0x28: {  	s2 =	sld [smem:$0x3FB0]  }
0x29: {  	s4 =	sld [smem:$0x3FB2]  }
0x2a: {  	p0 =	seq.s32 s5, $0x0;
	s5 =	sld [smem:$0x3FB3]  }
0x2b: {  	s6 =	sld [smem:$0x3FB4]  }
0x2c: {  	s7 =	sld [smem:$0x3FB5]  }
0x2d: {  	s3 =	simm.s32 $0x108;
	s8 =	sld [smem:$0x3FB6]  }
0x2e: {  	s3 =	simm.s32 @!p0 $0x1082;
	s9 =	sld [smem:$0x3FB7]  }
0x2f: {  	lr =	sadd.s32 s0, s3;
	s0 =	sld [smem:$0x3FAE]  }
0x30: {  	s3 =	sld [smem:$0x3FB1]  }
0x31: {  	[smem:$0x3FBA] =	sst s10  }
0x32: {  	s10 =	sld [smem:$0x3FB8];
	_ =	sdelay $0x3  }
0x33: {  	p0 =	seq.s32 s10, $0x1;
	s10 =	sld [smem:$0x3FBA];
	_ =	sdelay $0x3  }
0x34: {  	[smem:$0x3FBA] =	sst s10  }
0x35: {  	s10 =	sld [smem:$0x3FB9];
	_ =	sdelay $0x3  }
0x36: {  	p1 =	seq.s32 s10, $0x1;
	s10 =	sld [smem:$0x3FBA];
	_ =	sdelay $0x3  }
0x37: {  	[smem:$0x3FBA] =	sst s10  }
0x38: {  	s10 =	sld [smem:$0x3FBB]  }
0x39: {  	_ = 	snop;
	(pc) =	sbr.ind lr, $3  }
0x3a: {  	_ = 	snop  }
0x3b: {  	_ = 	snop  }
0x3c: {  	p2 =	seq.s32 s10, $0x1;
	s10 =	sld [smem:$0x3FBA]  }
0x3d: {  	_ =	shalt  }
0x3e: {  	_ =	shalt  }
0x3f: {  	_ =	shalt  }
0x40: {  	_ =	shalt  }
0x41: {  	_ =	shalt  }
0x42: {  	_ =	shalt  }
0x43: {  	_ =	shalt  }
0x44: {  	_ =	shalt  }
0x45: {  	_ =	shalt  }
0x46: {  	_ =	shalt  }
0x47: {  	_ =	shalt  }
0x48: {  	_ =	shalt  }
0x49: {  	_ =	shalt  }
0x4a: {  	_ =	shalt  }
0x4b: {  	_ =	shalt  }
0x4c: {  	_ =	shalt  }
0x4d: {  	_ =	shalt  }
0x4e: {  	_ =	shalt  }
0x4f: {  	_ =	shalt  }
0x50: {  	_ =	shalt  }
0x51: {  	_ =	shalt  }
0x52: {  	_ =	shalt  }
0x53: {  	_ =	shalt  }
0x54: {  	_ =	shalt  }
0x55: {  	_ =	shalt  }
0x56: {  	_ =	shalt  }
0x57: {  	_ =	shalt  }
0x58: {  	_ =	shalt  }
0x59: {  	_ =	shalt  }
0x5a: {  	_ =	shalt  }
0x5b: {  	_ =	shalt  }
0x5c: {  	_ =	shalt  }
0x5d: {  	_ =	shalt  }
0x5e: {  	_ =	shalt  }
0x5f: {  	_ =	shalt  }
0x60: {  	_ =	shalt  }
0x61: {  	_ =	shalt  }
0x62: {  	_ =	shalt  }
0x63: {  	_ =	shalt  }
0x64: {  	_ =	shalt  }
0x65: {  	_ =	shalt  }
0x66: {  	_ =	shalt  }
0x67: {  	_ =	shalt  }
0x68: {  	_ =	shalt  }
0x69: {  	_ =	shalt  }
0x6a: {  	_ =	shalt  }
0x6b: {  	_ =	shalt  }
0x6c: {  	_ =	shalt  }
0x6d: {  	_ =	shalt  }
0x6e: {  	_ =	shalt  }
0x6f: {  	_ =	shalt  }
0x70: {  	_ =	shalt  }
0x71: {  	_ =	shalt  }
0x72: {  	_ =	shalt  }
0x73: {  	_ =	shalt  }
0x74: {  	_ =	shalt  }
0x75: {  	_ =	shalt  }
0x76: {  	_ =	shalt  }
0x77: {  	_ =	shalt  }
0x78: {  	_ =	shalt  }
0x79: {  	_ =	shalt  }
0x7a: {  	_ =	shalt  }
0x7b: {  	_ =	shalt  }
0x7c: {  	_ =	shalt  }
0x7d: {  	_ =	shalt  }
0x7e: {  	_ =	shalt  }
0x7f: {  	_ =	shalt  }
0x80: {  	_ =	shalt  }
0x81: {  	_ =	shalt  }
0x82: {  	_ =	shalt  }
0x83: {  	_ =	shalt  }
0x84: {  	_ =	shalt  }
0x85: {  	_ =	shalt  }
0x86: {  	_ =	shalt  }
0x87: {  	_ =	shalt  }
.Lfunc_end0:
.L_simem_size_0:
called_computation.1_lowered:
.L_overlay_start_0:
0x88: {  	s2 =	sld [smem:$0x3FD9]  }
0x89: {  	s3 =	sld [smem:$0x3FFE];
	_ =	sdelay $0x1  }
0x8a: {  	s1 =	srdreg.scid  }
0x8b: {  	s0 =	sand.u32 $0x1, s1  }
0x8c: {  	s17 =	sshll.u32 s0, $0xA;
	s2 =	sadd.s32 s3, s2  }
0x8d: {  	s2 =	sadd.s32 s2, s17  }
0x8e: {  	[smem:$0x3FC6] =	sst s2  }
0x8f: {  	_ = 	snop  }
0x90: {  	s18 =	sld [smem:$0x3FC8];
	(tm) =	ssettm $0x1  }
0x91: {  	s19 =	sld [smem:$0x3FFB];
	_ =	sdelay $0x3  }
0x92: {  	_ =	strace s19  }
0x93: {  	s2 =	sld [smem:$0x3FFC];
	_ =	sdelay $0x3  }
0x94: {  	_ =	strace s2  }
0x95: {  	s2 =	sld [smem:$0x3FFD];
	_ =	sdelay $0x3  }
0x96: {  	_ =	strace s2  }
0x97: {  	_ =	strace $0x8FFFFFFF  }
0x98: {  	s20 =	sld [smem:$0x3FDB];
	_ =	sdelay $0x1  }
0x99: {  	s4 =	simm.s32 $_scs_section_size  }
0x9a: {  	s5 =	simm.s32 $_size__tile_overlayer_lowered;
	s6 =	simm.s32 $_tile_overlayer_lowered  }
0x9b: {  	s7 =	simm.s32 $0x1BFF;
	s21 =	sshll.u32 s6, $0x1;
	s4 =	sadd.s32 s4, s20  }
0x9c: {  	s22 =	simm.s32 $0x0;
	s5 =	sshll.u32 s5, $0x1;
	s6 =	sadd.s32 s21, s4  }
0x9d: {  	[timem:s22], [sflag:s7] =	dma.local [hbm:s6], s5  }
0x9e: {  	_ =	swait.ge [sflag:s7], s5  }
0x9f: {  	s5 =	ssub.s32 $0x0, s5;
	[sflag:s7] =	ssyncset.done $0x0  }
0xa0: {  	[sflag:s7] =	ssyncadd.s32 s5;
	_ =	sdelay $0x1  }
0xa1: {  	s23 =	simm.s32 $0x1B8B  }
0xa2: {  	_ =	swait.ge [sflag:s23], $0x1  }
0xa3: {  	[sflag:s23] =	ssyncset.done $0x0  }
0xa4: {  	[sflag:s23] =	ssyncadd.s32 $0xFFFFFFFF  }
0xa5: {  	s5 =	sld [smem:$0x0]  }
0xa6: {  	s6 =	sand.u32 $0xFFFFFFFE, s1  }
0xa7: {  	p0 =	sne.s32 s1, s6  }
0xa8: {  	s6 =	sshll.u32 @p0 s6, $0xE  }
0xa9: {  	s6 =	sadd.s32 @p0 $0x11B8D, s6;
	s7 =	sshll.u32 @p0 s5, $0x11  }
0xaa: {  	s6 =	sor.u32 @p0 s7, s6  }
0xab: {  	[sflag:s6] =	ssyncadd.remote.s32 @p0 $0x1;
	_ =	sdelay $0x1  }
0xac: {  	s6 =	simm.s32 @p0 $0x1B8D  }
0xad: {  	_ =	swait.eq @p0 [sflag:s6], $0x1  }
0xae: {  	[sflag:s6] =	ssyncadd.s32 @p0 $0xFFFFFFFF  }
0xaf: {  	s7 =	sshll.u32 @!p0 s1, $0xE  }
0xb0: {  	s7 =	sor.u32 @!p0 $0x4000, s7;
	s6 =	simm.s32 @!p0 $0x1B8D  }
0xb1: {  	s5 =	sshll.u32 @!p0 s5, $0x11;
	s7 =	sadd.s32 @!p0 $0x11B8D, s7;
	_ =	swait.eq @!p0 [sflag:s6], $0x1  }
0xb2: {  	s5 =	sor.u32 @!p0 s5, s7;
	[sflag:s6] =	ssyncadd.s32 @!p0 $0xFFFFFFFF  }
0xb3: {  	s25 =	simm.s32 $0x1B8E;
	s24 =	sld [smem:$0x3FFE];
	[sflag:s5] =	ssyncadd.remote.s32 @!p0 $0x1  }
0xb4: {  	s26 =	simm.s32 $execute0_lowered;
	[smem:$0x3FD2] =	sst s25  }
0xb5: {  	s6 =	sshll.u32 s26, $0x1;
	_ =	strace $0x80000049;
	[dreg:$0x1] =	wrdreg $0xFFFFFFFF  }
0xb6: {  	s28 =	simm.s32 $_size_execute0_lowered;
	s4 =	sadd.s32 s4, s6;
	[dreg:$0x0] =	wrdreg $0x0  }
0xb7: {  	s6 =	sshll.u32 s28, $0x1;
	[dreg:$0x2] =	wrdreg s4  }
0xb8: {  	[dreg:$0x3] =	wrdreg s6  }
0xb9: {  	[dreg:$0x4] =	wrdreg $0xC0  }
0xba: {  	_ =	task [dreg:s22], $0x5FFFF  }
0xbb: {  	[dreg:$0x1] =	wrdreg $0xFFFFFFFF  }
0xbc: {  	[dreg:$0x0] =	wrdreg $0x60  }
0xbd: {  	[dreg:$0x2] =	wrdreg s18  }
0xbe: {  	[dreg:$0x3] =	wrdreg s24  }
0xbf: {  	[dreg:$0x4] =	wrdreg $0xA  }
0xc0: {  	_ =	task.clear_ibuf [dreg:s22], $0x5FFFF;
	_ =	strace $0x90000049  }
0xc1: {  	s29 =	simm.s32 $0xA;
	_ =	strace $0x8000004B  }
0xc2: {  	_ =	swait.ge [sflag:s29], $0x1  }
0xc3: {  	[sflag:s29] =	ssyncadd.s32 $0xFFFFFFFF  }
0xc4: {  	_ =	strace $0x9000004B  }
0xc5: {  	_ =	sfence  }
0xc6: {  	s30 =	sld [smem:$0x0];
	_ =	sdelay $0x2  }
0xc7: {  	s31 =	sshll.u32 s1, $0xD;
	s1 =	sshrl.u32 s1, $0x2  }
0xc8: {  	s4 =	sand.u32 $0x4000, s31;
	s1 =	sadd.s32 s1, s30  }
0xc9: {  	s0 =	sor.u32 s4, s0;
	s1 =	sshll.u32 s1, $0x11  }
0xca: {  	s0 =	sor.u32 s1, s0  }
0xcb: {  	s0 =	sadd.s32 $0x8F2B, s0  }
0xcc: {  	[sflag:s0] =	ssyncadd.remote.s32 $0x1  }
0xcd: {  	_ =	sfence.sel $0xFFFF  }
0xce: {  	[dreg:$0x0] =	wrdreg $0xFFFFFFFF;
	(pc) =	sbr.abs _section_cstart, $3  }
0xcf: {  	[dreg:$0x1] =	wrdreg $0xFFFFFFFF  }
0xd0: {  	_ =	task.clear_ibuf [dreg:s22], $0x2FFFF;
	_ =	strace $0x9FFFFFFF  }
0xd1: {  	(tm) =	ssettm $0x7FFFFFFF  }
tec
execute0_lowered:
.L_overlay_start_1:
0x0: {  	(tag) =	ssettag $0x1  }
0x1: {  	s1 =	srdreg.scid  }
0x2: {  	s0 =	stileid.u32;
	s2 =	rddreg [dreg:$0x0]  }
0x3: {  	s4 =	rddreg [dreg:$0x1];
	s11 =	simm.s32 $0x5;
	s12 =	simm.s32 $0x400  }
0x4: {  	s13 =	simm.s32 $0xC00;
	s14 =	simm.s32 $0x1400;
	s15 =	simm.s32 $0x1C00  }
0x5: {  	s16 =	simm.s32 $0x2400;
	s17 =	simm.s32 $0x2C00;
	s18 =	simm.s32 $0x3400  }
0x6: {  	s19 =	simm.s32 $0x3C00;
	s20 =	simm.s32 $0x4400;
	s28 =	simm.s32 $0x7C00  }
0x7: {  	s29 =	simm.s32 $0x1;
	s1 =	sand.u32 $0x1, s1;
	s3 =	sshll.u32 s0, $0x1  }
0x8: {  	s30 =	simm.s32 $0x3;
	s31 =	simm.s32 $0x2;
	s5 =	sor.u32 s1, s3  }
0x9: {  	s3 =	simm.s32 $0x0;
	s1 =	ssub.s32 $0x2, s1;
	s6 =	sshll.u32 s5, $0x7  }
0xa: {  	[smem:$0x7FF] =	sst s3;
	s5 =	sshll.u32 s5, $0xE;
	s23 =	sshrl.u32 s1, $0x1  }
0xb: {  	s6 =	sadd.s32 s6, s4;
	_ =	strace $0x8000004A;
	s10 =	sadd.s32 s5, s4  }
0xc: {  	s1 =	ssub.s32 s1, s23;
	s4 =	sadd.s32 $0x100, s2;
	s21 =	sadd.s32 $0x80C00, s6  }
0xd: {  	s5 =	sadd.s32 $0x200, s2;
	s22 =	sadd.s32 $0x81C00, s10;
	[dreg:$0x3] =	wrdreg s21  }
0xe: {  	s23 =	simm.s32 $0x5C00;
	s24 =	sadd.s32 $0x82400, s10;
	[dreg:$0x4] =	wrdreg s22  }
0xf: {  	s25 =	sadd.s32 $0x82C00, s10;
	s26 =	sadd.s32 $0x83400, s10;
	[dreg:$0x5] =	wrdreg s24  }
0x10: {  	s8 =	sadd.s32 $0x83C00, s10;
	s6 =	sadd.s32 $0x300, s2;
	[dreg:$0x6] =	wrdreg s25  }
0x11: {  	s7 =	smax.u32 s1, $0x1;
	s9 =	sadd.s32 $0x84C00, s10;
	[dreg:$0x7] =	wrdreg s26  }
0x12: {  	v2 =	vlaneseq.u32;
	s1 =	simm.s32 $0x4;
	[dreg:$0x8] =	wrdreg s8;
	s8 =	sadd.s32 $0x84400, s10  }
0x13: {  	vm0 =	vmmov $0xffff;
	v1 =	vshrl.u32 v2, $0x3;
	s10 =	sadd.s32 $0x85400, s10;
	s21 =	simm.s32 $0x4C00;
	s22 =	simm.s32 $0x5400  }
0x14: {  	v0 =	vand.u32 $0x7, v2;
	v2 =	vor.u32 $0x8, v2;
	v1 =	vmul.u32 $0x8, v1;
	s24 =	simm.s32 $0x6400;
	s25 =	simm.s32 $0x6C00;
	s26 =	simm.s32 $0x7400  }
.LBB2_1:
0x15: {  	s0 =	rddreg [dreg:$0x3]  }
0x16: {  	[tilespmem:s3], [sflag:$0x5] =	stream.linear.gather [hbm4b:s0+s3], $0x400, $0x38;
	[tilespmem:$0x8400] =	vst v63  }
0x17: {  	_ =	swait.ge [sflag:s11], $0x400  }
0x18: {  	[sflag:s11] =	ssyncset.done $0x0  }
0x19: {  	[sflag:s11] =	ssyncadd.s32 $0xFFFFFC00  }
0x1a: {  	v3 =	vld [tilespmem:$0x0];
	_ =	sdelay $0x4  }
0x1b: {  	v4 =	vshll.u32 v3, $0x3  }
0x1c: {  	v3 =	vand.u32 $0x7, v3;
	v4 =	vand.u32 $0xFFFFFFC0, v4  }
0x1d: {  	v3 =	vor.u32 v3, v4  }
0x1e: {  	v4 =	vperm.xlane v3, v0;
	_ =	sdelay $0x1  }
0x1f: {  	v4 =	vadd.s32 v1, v4;
	_ =	sdelay $0x4  }
0x20: {  	[tilespmem:s12], [sflag:$0x1] =	stream.indirect_vreg.gather [hbm4b:s2+s3], $0x80, v4, vm0, $0xb8;
	[tilespmem:$0x8400] =	vst v63  }
0x21: {  	v3 =	vperm.xlane v3, v2  }
0x22: {  	[tilespmem:s13], [sflag:$0x1] =	stream.indirect_vreg.gather [hbm4b:s4+s3], $0x80, v4, vm0, $0xb8;
	[tilespmem:$0x8400] =	vst v63  }
0x23: {  	v3 =	vadd.s32 v1, v3  }
0x24: {  	[tilespmem:s14], [sflag:$0x1] =	stream.indirect_vreg.gather [hbm4b:s5+s3], $0x80, v4, vm0, $0xb8;
	[tilespmem:$0x8400] =	vst v63  }
0x25: {  	_ = 	snop  }
0x26: {  	[tilespmem:s15], [sflag:$0x1] =	stream.indirect_vreg.gather [hbm4b:s6+s3], $0x80, v4, vm0, $0xb8;
	[tilespmem:$0x8400] =	vst v63  }
0x27: {  	_ = 	snop  }
0x28: {  	[tilespmem:s16], [sflag:$0x1] =	stream.indirect_vreg.gather [hbm4b:s2+s3], $0x80, v3, vm0, $0xb8;
	[tilespmem:$0x8400] =	vst v63  }
0x29: {  	_ = 	snop  }
0x2a: {  	[tilespmem:s17], [sflag:$0x1] =	stream.indirect_vreg.gather [hbm4b:s4+s3], $0x80, v3, vm0, $0xb8;
	[tilespmem:$0x8400] =	vst v63  }
0x2b: {  	_ = 	snop  }
0x2c: {  	[tilespmem:s18], [sflag:$0x1] =	stream.indirect_vreg.gather [hbm4b:s5+s3], $0x80, v3, vm0, $0xb8;
	[tilespmem:$0x8400] =	vst v63  }
0x2d: {  	_ = 	snop  }
0x2e: {  	[tilespmem:s19], [sflag:$0x1] =	stream.indirect_vreg.gather [hbm4b:s6+s3], $0x80, v3, vm0, $0xb8;
	[tilespmem:$0x8400] =	vst v63  }
0x2f: {  	v3 =	vld [tilespmem:$0x80];
	_ =	sdelay $0x4  }
0x30: {  	v57 =	vshll.u32 v3, $0x3  }
0x31: {  	v3 =	vand.u32 $0x7, v3;
	v4 =	vand.u32 $0xFFFFFFC0, v57  }
0x32: {  	v3 =	vor.u32 v3, v4  }
0x33: {  	v4 =	vperm.xlane v3, v0;
	_ =	sdelay $0x1  }
0x34: {  	v4 =	vadd.s32 v1, v4;
	_ =	sdelay $0x4  }
0x35: {  	[tilespmem:s20], [sflag:$0x2] =	stream.indirect_vreg.gather [hbm4b:s2+s3], $0x80, v4, vm0, $0xb8;
	[tilespmem:$0x8400] =	vst v63  }
0x36: {  	v3 =	vperm.xlane v3, v2  }
0x37: {  	[tilespmem:s21], [sflag:$0x2] =	stream.indirect_vreg.gather [hbm4b:s4+s3], $0x80, v4, vm0, $0xb8;
	[tilespmem:$0x8400] =	vst v63  }
0x38: {  	v3 =	vadd.s32 v1, v3  }
0x39: {  	[tilespmem:s22], [sflag:$0x2] =	stream.indirect_vreg.gather [hbm4b:s5+s3], $0x80, v4, vm0, $0xb8;
	[tilespmem:$0x8400] =	vst v63  }
0x3a: {  	_ = 	snop  }
0x3b: {  	[tilespmem:s23], [sflag:$0x2] =	stream.indirect_vreg.gather [hbm4b:s6+s3], $0x80, v4, vm0, $0xb8;
	[tilespmem:$0x8400] =	vst v63  }
0x3c: {  	_ = 	snop  }
0x3d: {  	[tilespmem:s24], [sflag:$0x2] =	stream.indirect_vreg.gather [hbm4b:s2+s3], $0x80, v3, vm0, $0xb8;
	[tilespmem:$0x8400] =	vst v63  }
0x3e: {  	_ = 	snop  }
0x3f: {  	[tilespmem:s25], [sflag:$0x2] =	stream.indirect_vreg.gather [hbm4b:s4+s3], $0x80, v3, vm0, $0xb8;
	[tilespmem:$0x8400] =	vst v63  }
0x40: {  	_ = 	snop  }
0x41: {  	[tilespmem:s26], [sflag:$0x2] =	stream.indirect_vreg.gather [hbm4b:s5+s3], $0x80, v3, vm0, $0xb8;
	[tilespmem:$0x8400] =	vst v63  }
0x42: {  	_ = 	snop  }
0x43: {  	[tilespmem:s28], [sflag:$0x2] =	stream.indirect_vreg.gather [hbm4b:s6+s3], $0x80, v3, vm0, $0xb8;
	[tilespmem:$0x8400] =	vst v63  }
0x44: {  	_ =	swait.ge [sflag:s29], $0x4000  }
0x45: {  	[sflag:s29] =	ssyncset.done $0x0  }
0x46: {  	s0 =	rddreg [dreg:$0x4];
	[sflag:s29] =	ssyncadd.s32 $0xFFFFC000  }
0x47: {  	[hbm4b:s0+s3] =	stream.linear.scatter [tilespmem:s12], [sflag:$0x3], $0x4000, $0x38;
	[tilespmem:$0x8400] =	vst v63  }
0x48: {  	_ =	swait.ge [sflag:s30], $0x4000  }
0x49: {  	[sflag:s30] =	ssyncset.done $0x0  }
0x4a: {  	[sflag:s30] =	ssyncadd.s32 $0xFFFFC000  }
0x4b: {  	v3 =	vld [tilespmem:$0x100];
	_ =	sdelay $0x4  }
0x4c: {  	v58 =	vshll.u32 v3, $0x3  }
0x4d: {  	v3 =	vand.u32 $0x7, v3;
	v4 =	vand.u32 $0xFFFFFFC0, v58  }
0x4e: {  	v3 =	vor.u32 v3, v4  }
0x4f: {  	v4 =	vperm.xlane v3, v0;
	_ =	sdelay $0x1  }
0x50: {  	v4 =	vadd.s32 v1, v4;
	_ =	sdelay $0x4  }
0x51: {  	[tilespmem:s12], [sflag:$0x1] =	stream.indirect_vreg.gather [hbm4b:s2+s3], $0x80, v4, vm0, $0xb8;
	[tilespmem:$0x8400] =	vst v63  }
0x52: {  	v3 =	vperm.xlane v3, v2  }
0x53: {  	[tilespmem:s13], [sflag:$0x1] =	stream.indirect_vreg.gather [hbm4b:s4+s3], $0x80, v4, vm0, $0xb8;
	[tilespmem:$0x8400] =	vst v63  }
0x54: {  	v3 =	vadd.s32 v1, v3  }
0x55: {  	[tilespmem:s14], [sflag:$0x1] =	stream.indirect_vreg.gather [hbm4b:s5+s3], $0x80, v4, vm0, $0xb8;
	[tilespmem:$0x8400] =	vst v63  }
0x56: {  	_ = 	snop  }
0x57: {  	[tilespmem:s15], [sflag:$0x1] =	stream.indirect_vreg.gather [hbm4b:s6+s3], $0x80, v4, vm0, $0xb8;
	[tilespmem:$0x8400] =	vst v63  }
0x58: {  	_ = 	snop  }
0x59: {  	[tilespmem:s16], [sflag:$0x1] =	stream.indirect_vreg.gather [hbm4b:s2+s3], $0x80, v3, vm0, $0xb8;
	[tilespmem:$0x8400] =	vst v63  }
0x5a: {  	_ = 	snop  }
0x5b: {  	[tilespmem:s17], [sflag:$0x1] =	stream.indirect_vreg.gather [hbm4b:s4+s3], $0x80, v3, vm0, $0xb8;
	[tilespmem:$0x8400] =	vst v63  }
0x5c: {  	_ = 	snop  }
0x5d: {  	[tilespmem:s18], [sflag:$0x1] =	stream.indirect_vreg.gather [hbm4b:s5+s3], $0x80, v3, vm0, $0xb8;
	[tilespmem:$0x8400] =	vst v63  }
0x5e: {  	_ = 	snop  }
0x5f: {  	[tilespmem:s19], [sflag:$0x1] =	stream.indirect_vreg.gather [hbm4b:s6+s3], $0x80, v3, vm0, $0xb8;
	[tilespmem:$0x8400] =	vst v63  }
0x60: {  	_ =	swait.ge [sflag:s31], $0x4000  }
0x61: {  	[sflag:s31] =	ssyncset.done $0x0  }
0x62: {  	s0 =	rddreg [dreg:$0x5];
	[sflag:s31] =	ssyncadd.s32 $0xFFFFC000  }
0x63: {  	[hbm4b:s0+s3] =	stream.linear.scatter [tilespmem:s20], [sflag:$0x4], $0x4000, $0x38;
	[tilespmem:$0x8400] =	vst v63  }
0x64: {  	_ =	swait.ge [sflag:s1], $0x4000  }
0x65: {  	[sflag:s1] =	ssyncset.done $0x0  }
0x66: {  	[sflag:s1] =	ssyncadd.s32 $0xFFFFC000  }
0x67: {  	v3 =	vld [tilespmem:$0x180];
	_ =	sdelay $0x4  }
0x68: {  	v59 =	vshll.u32 v3, $0x3  }
0x69: {  	v3 =	vand.u32 $0x7, v3;
	v4 =	vand.u32 $0xFFFFFFC0, v59  }
0x6a: {  	v3 =	vor.u32 v3, v4  }
0x6b: {  	v4 =	vperm.xlane v3, v0;
	_ =	sdelay $0x1  }
0x6c: {  	v4 =	vadd.s32 v1, v4;
	_ =	sdelay $0x4  }
0x6d: {  	[tilespmem:s20], [sflag:$0x2] =	stream.indirect_vreg.gather [hbm4b:s2+s3], $0x80, v4, vm0, $0xb8;
	[tilespmem:$0x8400] =	vst v63  }
0x6e: {  	v3 =	vperm.xlane v3, v2  }
0x6f: {  	[tilespmem:s21], [sflag:$0x2] =	stream.indirect_vreg.gather [hbm4b:s4+s3], $0x80, v4, vm0, $0xb8;
	[tilespmem:$0x8400] =	vst v63  }
0x70: {  	v3 =	vadd.s32 v1, v3  }
0x71: {  	[tilespmem:s22], [sflag:$0x2] =	stream.indirect_vreg.gather [hbm4b:s5+s3], $0x80, v4, vm0, $0xb8;
	[tilespmem:$0x8400] =	vst v63  }
0x72: {  	_ = 	snop  }
0x73: {  	[tilespmem:s23], [sflag:$0x2] =	stream.indirect_vreg.gather [hbm4b:s6+s3], $0x80, v4, vm0, $0xb8;
	[tilespmem:$0x8400] =	vst v63  }
0x74: {  	_ = 	snop  }
0x75: {  	[tilespmem:s24], [sflag:$0x2] =	stream.indirect_vreg.gather [hbm4b:s2+s3], $0x80, v3, vm0, $0xb8;
	[tilespmem:$0x8400] =	vst v63  }
0x76: {  	_ = 	snop  }
0x77: {  	[tilespmem:s25], [sflag:$0x2] =	stream.indirect_vreg.gather [hbm4b:s4+s3], $0x80, v3, vm0, $0xb8;
	[tilespmem:$0x8400] =	vst v63  }
0x78: {  	_ = 	snop  }
0x79: {  	[tilespmem:s26], [sflag:$0x2] =	stream.indirect_vreg.gather [hbm4b:s5+s3], $0x80, v3, vm0, $0xb8;
	[tilespmem:$0x8400] =	vst v63  }
0x7a: {  	_ = 	snop  }
0x7b: {  	[tilespmem:s28], [sflag:$0x2] =	stream.indirect_vreg.gather [hbm4b:s6+s3], $0x80, v3, vm0, $0xb8;
	[tilespmem:$0x8400] =	vst v63  }
0x7c: {  	_ =	swait.ge [sflag:s29], $0x4000  }
0x7d: {  	[sflag:s29] =	ssyncset.done $0x0  }
0x7e: {  	s0 =	rddreg [dreg:$0x6];
	[sflag:s29] =	ssyncadd.s32 $0xFFFFC000  }
0x7f: {  	[hbm4b:s0+s3] =	stream.linear.scatter [tilespmem:s12], [sflag:$0x3], $0x4000, $0x38;
	[tilespmem:$0x8400] =	vst v63  }
0x80: {  	_ =	swait.ge [sflag:s30], $0x4000  }
0x81: {  	[sflag:s30] =	ssyncset.done $0x0  }
0x82: {  	[sflag:s30] =	ssyncadd.s32 $0xFFFFC000  }
0x83: {  	v3 =	vld [tilespmem:$0x200];
	_ =	sdelay $0x4  }
0x84: {  	v60 =	vshll.u32 v3, $0x3  }
0x85: {  	v3 =	vand.u32 $0x7, v3;
	v4 =	vand.u32 $0xFFFFFFC0, v60  }
0x86: {  	v3 =	vor.u32 v3, v4  }
0x87: {  	v4 =	vperm.xlane v3, v0;
	_ =	sdelay $0x1  }
0x88: {  	v4 =	vadd.s32 v1, v4;
	_ =	sdelay $0x4  }
0x89: {  	[tilespmem:s12], [sflag:$0x1] =	stream.indirect_vreg.gather [hbm4b:s2+s3], $0x80, v4, vm0, $0xb8;
	[tilespmem:$0x8400] =	vst v63  }
0x8a: {  	v3 =	vperm.xlane v3, v2  }
0x8b: {  	[tilespmem:s13], [sflag:$0x1] =	stream.indirect_vreg.gather [hbm4b:s4+s3], $0x80, v4, vm0, $0xb8;
	[tilespmem:$0x8400] =	vst v63  }
0x8c: {  	v3 =	vadd.s32 v1, v3  }
0x8d: {  	[tilespmem:s14], [sflag:$0x1] =	stream.indirect_vreg.gather [hbm4b:s5+s3], $0x80, v4, vm0, $0xb8;
	[tilespmem:$0x8400] =	vst v63  }
0x8e: {  	_ = 	snop  }
0x8f: {  	[tilespmem:s15], [sflag:$0x1] =	stream.indirect_vreg.gather [hbm4b:s6+s3], $0x80, v4, vm0, $0xb8;
	[tilespmem:$0x8400] =	vst v63  }
0x90: {  	_ = 	snop  }
0x91: {  	[tilespmem:s16], [sflag:$0x1] =	stream.indirect_vreg.gather [hbm4b:s2+s3], $0x80, v3, vm0, $0xb8;
	[tilespmem:$0x8400] =	vst v63  }
0x92: {  	_ = 	snop  }
0x93: {  	[tilespmem:s17], [sflag:$0x1] =	stream.indirect_vreg.gather [hbm4b:s4+s3], $0x80, v3, vm0, $0xb8;
	[tilespmem:$0x8400] =	vst v63  }
0x94: {  	_ = 	snop  }
0x95: {  	[tilespmem:s18], [sflag:$0x1] =	stream.indirect_vreg.gather [hbm4b:s5+s3], $0x80, v3, vm0, $0xb8;
	[tilespmem:$0x8400] =	vst v63  }
0x96: {  	_ = 	snop  }
0x97: {  	[tilespmem:s19], [sflag:$0x1] =	stream.indirect_vreg.gather [hbm4b:s6+s3], $0x80, v3, vm0, $0xb8;
	[tilespmem:$0x8400] =	vst v63  }
0x98: {  	_ =	swait.ge [sflag:s31], $0x4000  }
0x99: {  	[sflag:s31] =	ssyncset.done $0x0  }
0x9a: {  	s0 =	rddreg [dreg:$0x7];
	[sflag:s31] =	ssyncadd.s32 $0xFFFFC000  }
0x9b: {  	[hbm4b:s0+s3] =	stream.linear.scatter [tilespmem:s20], [sflag:$0x4], $0x4000, $0x38;
	[tilespmem:$0x8400] =	vst v63  }
0x9c: {  	_ =	swait.ge [sflag:s1], $0x4000  }
0x9d: {  	[sflag:s1] =	ssyncset.done $0x0  }
0x9e: {  	[sflag:s1] =	ssyncadd.s32 $0xFFFFC000  }
0x9f: {  	v3 =	vld [tilespmem:$0x280];
	_ =	sdelay $0x4  }
0xa0: {  	v61 =	vshll.u32 v3, $0x3  }
0xa1: {  	v3 =	vand.u32 $0x7, v3;
	v4 =	vand.u32 $0xFFFFFFC0, v61  }
0xa2: {  	v3 =	vor.u32 v3, v4  }
0xa3: {  	v4 =	vperm.xlane v3, v0;
	_ =	sdelay $0x1  }
0xa4: {  	v4 =	vadd.s32 v1, v4;
	_ =	sdelay $0x4  }
0xa5: {  	[tilespmem:s20], [sflag:$0x2] =	stream.indirect_vreg.gather [hbm4b:s2+s3], $0x80, v4, vm0, $0xb8;
	[tilespmem:$0x8400] =	vst v63  }
0xa6: {  	v3 =	vperm.xlane v3, v2  }
0xa7: {  	[tilespmem:s21], [sflag:$0x2] =	stream.indirect_vreg.gather [hbm4b:s4+s3], $0x80, v4, vm0, $0xb8;
	[tilespmem:$0x8400] =	vst v63  }
0xa8: {  	v3 =	vadd.s32 v1, v3  }
0xa9: {  	[tilespmem:s22], [sflag:$0x2] =	stream.indirect_vreg.gather [hbm4b:s5+s3], $0x80, v4, vm0, $0xb8;
	[tilespmem:$0x8400] =	vst v63  }
0xaa: {  	_ = 	snop  }
0xab: {  	[tilespmem:s23], [sflag:$0x2] =	stream.indirect_vreg.gather [hbm4b:s6+s3], $0x80, v4, vm0, $0xb8;
	[tilespmem:$0x8400] =	vst v63  }
0xac: {  	_ = 	snop  }
0xad: {  	[tilespmem:s24], [sflag:$0x2] =	stream.indirect_vreg.gather [hbm4b:s2+s3], $0x80, v3, vm0, $0xb8;
	[tilespmem:$0x8400] =	vst v63  }
0xae: {  	_ = 	snop  }
0xaf: {  	[tilespmem:s25], [sflag:$0x2] =	stream.indirect_vreg.gather [hbm4b:s4+s3], $0x80, v3, vm0, $0xb8;
	[tilespmem:$0x8400] =	vst v63  }
0xb0: {  	_ = 	snop  }
0xb1: {  	[tilespmem:s26], [sflag:$0x2] =	stream.indirect_vreg.gather [hbm4b:s5+s3], $0x80, v3, vm0, $0xb8;
	[tilespmem:$0x8400] =	vst v63  }
0xb2: {  	_ = 	snop  }
0xb3: {  	[tilespmem:s28], [sflag:$0x2] =	stream.indirect_vreg.gather [hbm4b:s6+s3], $0x80, v3, vm0, $0xb8;
	[tilespmem:$0x8400] =	vst v63  }
0xb4: {  	_ =	swait.ge [sflag:s29], $0x4000  }
0xb5: {  	[sflag:s29] =	ssyncset.done $0x0  }
0xb6: {  	s0 =	rddreg [dreg:$0x8];
	[sflag:s29] =	ssyncadd.s32 $0xFFFFC000  }
0xb7: {  	[hbm4b:s0+s3] =	stream.linear.scatter [tilespmem:s12], [sflag:$0x3], $0x4000, $0x38;
	[tilespmem:$0x8400] =	vst v63  }
0xb8: {  	_ =	swait.ge [sflag:s30], $0x4000  }
0xb9: {  	[sflag:s30] =	ssyncset.done $0x0  }
0xba: {  	[sflag:s30] =	ssyncadd.s32 $0xFFFFC000  }
0xbb: {  	v3 =	vld [tilespmem:$0x300];
	_ =	sdelay $0x4  }
0xbc: {  	v62 =	vshll.u32 v3, $0x3  }
0xbd: {  	v3 =	vand.u32 $0x7, v3;
	v4 =	vand.u32 $0xFFFFFFC0, v62  }
0xbe: {  	v3 =	vor.u32 v3, v4  }
0xbf: {  	v4 =	vperm.xlane v3, v0;
	_ =	sdelay $0x1  }
0xc0: {  	v4 =	vadd.s32 v1, v4;
	_ =	sdelay $0x4  }
0xc1: {  	[tilespmem:s12], [sflag:$0x1] =	stream.indirect_vreg.gather [hbm4b:s2+s3], $0x80, v4, vm0, $0xb8;
	[tilespmem:$0x8400] =	vst v63  }
0xc2: {  	v3 =	vperm.xlane v3, v2  }
0xc3: {  	[tilespmem:s13], [sflag:$0x1] =	stream.indirect_vreg.gather [hbm4b:s4+s3], $0x80, v4, vm0, $0xb8;
	[tilespmem:$0x8400] =	vst v63  }
0xc4: {  	v3 =	vadd.s32 v1, v3  }
0xc5: {  	[tilespmem:s14], [sflag:$0x1] =	stream.indirect_vreg.gather [hbm4b:s5+s3], $0x80, v4, vm0, $0xb8;
	[tilespmem:$0x8400] =	vst v63  }
0xc6: {  	_ = 	snop  }
0xc7: {  	[tilespmem:s15], [sflag:$0x1] =	stream.indirect_vreg.gather [hbm4b:s6+s3], $0x80, v4, vm0, $0xb8;
	[tilespmem:$0x8400] =	vst v63  }
0xc8: {  	_ = 	snop  }
0xc9: {  	[tilespmem:s16], [sflag:$0x1] =	stream.indirect_vreg.gather [hbm4b:s2+s3], $0x80, v3, vm0, $0xb8;
	[tilespmem:$0x8400] =	vst v63  }
0xca: {  	_ = 	snop  }
0xcb: {  	[tilespmem:s17], [sflag:$0x1] =	stream.indirect_vreg.gather [hbm4b:s4+s3], $0x80, v3, vm0, $0xb8;
	[tilespmem:$0x8400] =	vst v63  }
0xcc: {  	_ = 	snop  }
0xcd: {  	[tilespmem:s18], [sflag:$0x1] =	stream.indirect_vreg.gather [hbm4b:s5+s3], $0x80, v3, vm0, $0xb8;
	[tilespmem:$0x8400] =	vst v63  }
0xce: {  	_ = 	snop  }
0xcf: {  	[tilespmem:s19], [sflag:$0x1] =	stream.indirect_vreg.gather [hbm4b:s6+s3], $0x80, v3, vm0, $0xb8;
	[tilespmem:$0x8400] =	vst v63  }
0xd0: {  	_ =	swait.ge [sflag:s31], $0x4000  }
0xd1: {  	[sflag:s31] =	ssyncset.done $0x0  }
0xd2: {  	[sflag:s31] =	ssyncadd.s32 $0xFFFFC000  }
0xd3: {  	[hbm4b:s8+s3] =	stream.linear.scatter [tilespmem:s20], [sflag:$0x4], $0x4000, $0x38;
	[tilespmem:$0x8400] =	vst v63  }
0xd4: {  	_ =	swait.ge [sflag:s1], $0x4000  }
0xd5: {  	[sflag:s1] =	ssyncset.done $0x0  }
0xd6: {  	[sflag:s1] =	ssyncadd.s32 $0xFFFFC000  }
0xd7: {  	v3 =	vld [tilespmem:$0x380];
	_ =	sdelay $0x4  }
0xd8: {  	v63 =	vshll.u32 v3, $0x3  }
0xd9: {  	v3 =	vand.u32 $0x7, v3;
	v4 =	vand.u32 $0xFFFFFFC0, v63  }
0xda: {  	v3 =	vor.u32 v3, v4  }
0xdb: {  	v4 =	vperm.xlane v3, v0;
	_ =	sdelay $0x1  }
0xdc: {  	v4 =	vadd.s32 v1, v4;
	_ =	sdelay $0x4  }
0xdd: {  	[tilespmem:s20], [sflag:$0x2] =	stream.indirect_vreg.gather [hbm4b:s2+s3], $0x80, v4, vm0, $0xb8;
	[tilespmem:$0x8400] =	vst v63  }
0xde: {  	v3 =	vperm.xlane v3, v2  }
0xdf: {  	[tilespmem:s21], [sflag:$0x2] =	stream.indirect_vreg.gather [hbm4b:s4+s3], $0x80, v4, vm0, $0xb8;
	[tilespmem:$0x8400] =	vst v63  }
0xe0: {  	v3 =	vadd.s32 v1, v3  }
0xe1: {  	[tilespmem:s22], [sflag:$0x2] =	stream.indirect_vreg.gather [hbm4b:s5+s3], $0x80, v4, vm0, $0xb8;
	[tilespmem:$0x8400] =	vst v63  }
0xe2: {  	_ = 	snop  }
0xe3: {  	[tilespmem:s23], [sflag:$0x2] =	stream.indirect_vreg.gather [hbm4b:s6+s3], $0x80, v4, vm0, $0xb8;
	[tilespmem:$0x8400] =	vst v63  }
0xe4: {  	_ = 	snop  }
0xe5: {  	[tilespmem:s24], [sflag:$0x2] =	stream.indirect_vreg.gather [hbm4b:s2+s3], $0x80, v3, vm0, $0xb8;
	[tilespmem:$0x8400] =	vst v63  }
0xe6: {  	_ = 	snop  }
0xe7: {  	[tilespmem:s25], [sflag:$0x2] =	stream.indirect_vreg.gather [hbm4b:s4+s3], $0x80, v3, vm0, $0xb8;
	[tilespmem:$0x8400] =	vst v63  }
0xe8: {  	_ = 	snop  }
0xe9: {  	[tilespmem:s26], [sflag:$0x2] =	stream.indirect_vreg.gather [hbm4b:s5+s3], $0x80, v3, vm0, $0xb8;
	[tilespmem:$0x8400] =	vst v63  }
0xea: {  	_ = 	snop  }
0xeb: {  	[tilespmem:s28], [sflag:$0x2] =	stream.indirect_vreg.gather [hbm4b:s6+s3], $0x80, v3, vm0, $0xb8;
	[tilespmem:$0x8400] =	vst v63  }
0xec: {  	_ =	swait.ge [sflag:s29], $0x4000  }
0xed: {  	[sflag:s29] =	ssyncset.done $0x0  }
0xee: {  	[sflag:s29] =	ssyncadd.s32 $0xFFFFC000  }
0xef: {  	[hbm4b:s9+s3] =	stream.linear.scatter [tilespmem:s12], [sflag:$0x3], $0x4000, $0x38;
	[tilespmem:$0x8400] =	vst v63  }
0xf0: {  	_ =	swait.ge [sflag:s31], $0x4000  }
0xf1: {  	[sflag:s31] =	ssyncset.done $0x0  }
0xf2: {  	[sflag:s31] =	ssyncadd.s32 $0xFFFFC000  }
0xf3: {  	[hbm4b:s10+s3] =	stream.linear.scatter [tilespmem:s20], [sflag:$0x4], $0x4000, $0x38;
	[tilespmem:$0x8400] =	vst v63  }
0xf4: {  	p0 =	sne.s32 s7, $0x1;
	_ =	swait.ge [sflag:s30], $0x4000  }
.Ltmp0:
0xf5: {  	[sflag:s30] =	ssyncset.done $0x0;
	(pc) =	sbr.rel @p0 .LBB2_1-.Ltmp0, $4  }
0xf6: {  	[sflag:s30] =	ssyncadd.s32 $0xFFFFC000  }
0xf7: {  	_ =	swait.ge [sflag:s1], $0x4000  }
0xf8: {  	[sflag:s1] =	ssyncset.done $0x0  }
0xf9: {  	s7 =	sadd.s32 $0xFFFFFFFF, s7;
	[sflag:s1] =	ssyncadd.s32 $0xFFFFC000  }
0xfa: {  	_ =	sfence.sel $0x180000  }
0xfb: {  	[bflag:$0x0] =	sbarrier.arrive $0xFFFF  }
0xfc: {  	_ =	strace $0x9000004A  }
0xfd: {  	s0 =	stileid.u32;
	[bflag:$0x2] =	sbarrier.arrive $0xFFFF  }
0xfe: {  	p0 =	sne.s32 s0, $0x0;
	s0 =	rddreg [dreg:$0x2]  }
0xff: {  	s0 =	sadd.s32 @!p0 $0x100000, s0  }
0x100: {  	[sflag:s0] =	ssyncadd.tile.s32 @!p0 $0x1;
	_ =	shalt  }
.Lfunc_end2:
_tile_overlayer_lowered:
.L_overlay_start_2:
0x101: {  	(tag) =	ssettag $0x2  }
0x102: {  	s0 =	rddreg [dreg:$0x0];
	s2 =	stileid.u32  }
0x103: {  	s1 =	rddreg [dreg:$0x1];
	p0 =	sne.s32 s2, $0x0  }
0x104: {  	s3 =	rddreg [dreg:$0x2];
	[bflag:$0x3] =	sbarrier.arrive $0xFFFF;
	s2 =	simm.s32 @!p0 $0x1C05  }
0x105: {  	[timem:s3], [sflag:s2] =	dma.local @!p0 [hbm:s0], s1  }
0x106: {  	s0 =	simm.s32 @!p0 $0x5  }
0x107: {  	_ =	swait.ge @!p0 [sflag:s0], s1  }
0x108: {  	s1 =	ssub.s32 @!p0 $0x0, s1;
	[sflag:s0] =	ssyncset.done @!p0 $0x0  }
0x109: {  	[sflag:s0] =	ssyncadd.s32 @!p0 s1  }
0x10a: {  	[bflag:$0x3] =	sbarrier.arrive $0xFFFF  }
0x10b: {  	_ =	shalt  }

</sc_bundles>
